<compile_context>
chip_gen: v7x
topology: tpu7x:2x2x1
jax: 0.10.2.dev20260603
libtpu: 0.0.44.dev20260713+nightly
codegen_flags: <defaults>
</compile_context>

<pallas_src>
import functools

import jax
import jax.numpy as jnp
from jax import lax
from jax.experimental import pallas as pl
from jax.experimental.pallas import tpu as pltpu
from jax.experimental.pallas import tpu_sc as plsc

NC = 2
NS = 16
LANES = 16
CHUNK = 128


def _fill_rid(rid_v, nm, base):
    lane = lax.iota(jnp.int32, LANES)
    kpc = CHUNK // LANES

    def f(t, _):
        j = t // kpc
        k = t % kpc
        rid_v[j, pl.ds(k * LANES, LANES)] = lane + t * LANES + base
        return 0

    lax.fori_loop(0, nm * kpc, f, 0)


def _zero_rows(buf, nrows, width):
    zeros = jnp.zeros((LANES,), jnp.float32)
    kpr = width // LANES

    def f(t, _):
        i = t // kpr
        k = t % kpr
        buf[i, pl.ds(k * LANES, LANES)] = zeros
        return 0

    lax.fori_loop(0, nrows * kpr, f, 0)


def _make_deg(npad, c32):
    rpt = npad // NS
    nm = rpt // CHUNK
    mesh = plsc.VectorSubcoreMesh(core_axis_name="c", subcore_axis_name="s")

    @functools.partial(
        pl.kernel,
        mesh=mesh,
        out_type=jax.ShapeDtypeStruct((NC, npad, LANES), jnp.float32),
        compiler_params=pltpu.CompilerParams(use_tc_tiling_on_sc=False),
        scratch_types=[
            pltpu.VMEM((c32, CHUNK), jnp.int32),
            pltpu.VMEM((nm, CHUNK), jnp.int32),
            pltpu.VMEM((CHUNK, LANES), jnp.float32),
            pltpu.VMEM((CHUNK, LANES), jnp.float32),
            pltpu.VMEM_SHARED((npad, LANES), jnp.float32),
            pltpu.SemaphoreType.DMA,
        ],
    )
    def deg_kernel(dst_hbm, out_hbm, dst_v, rid_v, ones_v, robuf, acc_sp,
                   sem):
        c = lax.axis_index("c")
        s = lax.axis_index("s")
        wid = s * NC + c
        pltpu.sync_copy(dst_hbm.at[wid], dst_v)
        _fill_rid(rid_v, nm, s * rpt)
        _zero_rows(robuf, CHUNK, LANES)

        def zero(j, _):
            pltpu.sync_copy(robuf, acc_sp.at[rid_v.at[j]])
            return 0

        lax.fori_loop(0, nm, zero, 0)
        ones = jnp.ones((LANES,), jnp.float32)

        def f1(i, _):
            ones_v[i, :] = ones
            return 0

        lax.fori_loop(0, CHUNK, f1, 0)
        plsc.subcore_barrier()

        def chunk(i, _):
            pltpu.sync_copy(ones_v, acc_sp.at[dst_v.at[i]], add=True)
            return 0

        lax.fori_loop(0, c32, chunk, 0)
        plsc.subcore_barrier()

        def rd(j, _):
            pltpu.async_copy(acc_sp.at[rid_v.at[j]], robuf, sem).wait()
            pltpu.sync_copy(
                robuf, out_hbm.at[c, pl.ds(s * rpt + j * CHUNK, CHUNK)])
            return 0

        lax.fori_loop(0, nm, rd, 0)

    return deg_kernel


def _make_scatter(npad, c32, h):
    rpt = npad // NS
    nm = rpt // CHUNK
    mesh = plsc.VectorSubcoreMesh(core_axis_name="c", subcore_axis_name="s")

    @functools.partial(
        pl.kernel,
        mesh=mesh,
        out_type=jax.ShapeDtypeStruct((NC, npad, h), jnp.float32),
        compiler_params=pltpu.CompilerParams(use_tc_tiling_on_sc=False),
        scratch_types=[
            pltpu.VMEM((c32, CHUNK), jnp.int32),
            pltpu.VMEM((c32, CHUNK), jnp.int32),
            pltpu.VMEM((c32, CHUNK), jnp.int32),
            pltpu.VMEM((nm, CHUNK), jnp.int32),
            pltpu.VMEM((CHUNK, h), jnp.float32),
            pltpu.VMEM((CHUNK, h), jnp.float32),
            pltpu.VMEM_SHARED((npad, h), jnp.float32),
            pltpu.SemaphoreType.DMA,
        ],
    )
    def scatter_kernel(pk_hbm, y_hbm, out_hbm,
                       pk_v, src_v, dst_v, rid_v, rows_v, robuf, acc_sp,
                       sem):
        c = lax.axis_index("c")
        s = lax.axis_index("s")
        wid = s * NC + c
        pltpu.sync_copy(pk_hbm.at[wid], pk_v)
        _fill_rid(rid_v, nm, s * rpt)
        _zero_rows(robuf, CHUNK, h)
        kpc = CHUNK // LANES

        def unpk(t, _):
            i = t // kpc
            k = t % kpc
            v = pk_v[i, pl.ds(k * LANES, LANES)]
            src_v[i, pl.ds(k * LANES, LANES)] = lax.shift_right_logical(
                v, 14)
            dst_v[i, pl.ds(k * LANES, LANES)] = jnp.bitwise_and(v, 16383)
            return 0

        lax.fori_loop(0, c32 * kpc, unpk, 0)

        def zero(j, _):
            pltpu.sync_copy(robuf, acc_sp.at[rid_v.at[j]])
            return 0

        lax.fori_loop(0, nm, zero, 0)
        plsc.subcore_barrier()

        def chunk(i, _):
            pltpu.async_copy(y_hbm.at[src_v.at[i]], rows_v, sem).wait()
            pltpu.sync_copy(rows_v, acc_sp.at[dst_v.at[i]], add=True)
            return 0

        lax.fori_loop(0, c32, chunk, 0)
        plsc.subcore_barrier()

        def rd(j, _):
            pltpu.async_copy(acc_sp.at[rid_v.at[j]], robuf, sem).wait()
            pltpu.sync_copy(
                robuf, out_hbm.at[c, pl.ds(s * rpt + j * CHUNK, CHUNK)])
            return 0

        lax.fori_loop(0, nm, rd, 0)

    return scatter_kernel


def _y1_body(x_ref, w_ref, deg_ref, y_ref, dis_ref):
    deg = deg_ref[0, :, :1] + deg_ref[1, :, :1] + 1.0
    dis = lax.rsqrt(deg)
    dis_ref[...] = dis
    y_ref[...] = (
        jnp.dot(x_ref[...], w_ref[...], preferred_element_type=jnp.float32)
        * dis
    )


def _mid_body(acc_ref, y1_ref, dis_ref, b1_ref, w2_ref, o_ref):
    a = acc_ref[0] + acc_ref[1] + y1_ref[...]
    dis = dis_ref[...]
    hid = jnp.maximum(dis * a + b1_ref[...], 0.0)
    o_ref[...] = dis * jnp.dot(
        hid, w2_ref[...], preferred_element_type=jnp.float32
    )


def _out_body(acc_ref, y2_ref, dis_ref, b2_ref, o_ref):
    a = acc_ref[0] + acc_ref[1] + y2_ref[...]
    o_ref[...] = jnp.maximum(dis_ref[...] * a + b2_ref[...], 0.0)


def kernel(x, edge_index, W1, b1, W2, b2):
    n, d = x.shape
    e = edge_index.shape[1]
    h1 = W1.shape[1]
    h2 = W2.shape[1]
    hp = 16

    R = 2048
    npad = -(-(n + 1) // R) * R
    eq = NC * NS * CHUNK * 8
    epad = -(-e // eq) * eq

    src = jnp.concatenate(
        [edge_index[0], jnp.zeros((epad - e,), jnp.int32)])
    dst = jnp.concatenate(
        [edge_index[1], jnp.full((epad - e,), n, jnp.int32)])
    pk32 = (jnp.left_shift(src, 14) | dst).reshape(NC * NS, -1, CHUNK)
    dst32 = dst.reshape(NC * NS, -1, CHUNK)
    c32 = pk32.shape[1]

    xp = jnp.pad(x, ((0, npad - n), (0, 0)))
    w2p = jnp.pad(W2, ((0, 0), (0, hp - h2)))
    b1r = b1.reshape(1, h1)
    b2p = jnp.pad(b2, (0, hp - h2)).reshape(1, hp)

    deg = _make_deg(npad, c32)(dst32)
    grid = (npad // R,)

    y1, dis2 = pl.pallas_call(
        _y1_body,
        grid=grid,
        in_specs=[
            pl.BlockSpec((R, d), lambda b: (b, 0)),
            pl.BlockSpec((d, h1), lambda b: (0, 0)),
            pl.BlockSpec((NC, R, LANES), lambda b: (0, b, 0)),
        ],
        out_specs=[
            pl.BlockSpec((R, h1), lambda b: (b, 0)),
            pl.BlockSpec((R, 1), lambda b: (b, 0)),
        ],
        out_shape=[
            jax.ShapeDtypeStruct((npad, h1), jnp.float32),
            jax.ShapeDtypeStruct((npad, 1), jnp.float32),
        ],
    )(xp, W1, deg)

    acc1 = _make_scatter(npad, c32, h1)(pk32, y1)

    y2 = pl.pallas_call(
        _mid_body,
        grid=grid,
        in_specs=[
            pl.BlockSpec((NC, R, h1), lambda b: (0, b, 0)),
            pl.BlockSpec((R, h1), lambda b: (b, 0)),
            pl.BlockSpec((R, 1), lambda b: (b, 0)),
            pl.BlockSpec((1, h1), lambda b: (0, 0)),
            pl.BlockSpec((h1, hp), lambda b: (0, 0)),
        ],
        out_specs=pl.BlockSpec((R, hp), lambda b: (b, 0)),
        out_shape=jax.ShapeDtypeStruct((npad, hp), jnp.float32),
    )(acc1, y1, dis2, b1r, w2p)

    acc2 = _make_scatter(npad, c32, hp)(pk32, y2)

    out = pl.pallas_call(
        _out_body,
        grid=grid,
        in_specs=[
            pl.BlockSpec((NC, R, hp), lambda b: (0, b, 0)),
            pl.BlockSpec((R, hp), lambda b: (b, 0)),
            pl.BlockSpec((R, 1), lambda b: (b, 0)),
            pl.BlockSpec((1, hp), lambda b: (0, 0)),
        ],
        out_specs=pl.BlockSpec((R, hp), lambda b: (b, 0)),
        out_shape=jax.ShapeDtypeStruct((npad, hp), jnp.float32),
    )(acc2, y2, dis2, b2p)

    return out[:n, :h2]

# --- scband reference (transcript-rebuilt; emitter-appended) ---
"""Pipeline reference for scband-gcn-63445256896634 (READ-ONLY COPY).

The authoritative reference and input builder live on the scoring server;
editing this copy changes nothing except your own understanding.
"""

import jax, jax.numpy as jnp
import numpy as np

N = 10000
E = 320000
D = 128
H1 = 16
H2 = 7


def setup_inputs(seed: int = 0) -> dict:
    key = jax.random.key(seed)
    k1, k2, k3, k4 = jax.random.split(key, 4)
    x = jax.random.normal(k1, (N, D), dtype=jnp.float32)
    edge_index = jax.random.randint(k2, (2, E), 0, N, dtype=jnp.int32)
    W1 = jax.random.normal(k3, (D, H1), dtype=jnp.float32) * (1.0 / np.sqrt(D))
    b1 = jnp.zeros((H1,), dtype=jnp.float32)
    W2 = jax.random.normal(k4, (H1, H2), dtype=jnp.float32) * (1.0 / np.sqrt(H1))
    b2 = jnp.zeros((H2,), dtype=jnp.float32)
    return {"x": x, "edge_index": edge_index, "W1": W1, "b1": b1, "W2": W2, "b2": b2}


def gcn_conv(x, edge_index, W, b):
    # Faithful PyG GCNConv: x' = D^{-1/2} (A + I) D^{-1/2} (x W) + b
    n = x.shape[0]
    x = x @ W
    loop = jnp.arange(n, dtype=edge_index.dtype)
    src = jnp.concatenate([edge_index[0], loop])
    dst = jnp.concatenate([edge_index[1], loop])
    ones = jnp.ones(src.shape[0], dtype=x.dtype)
    deg = jax.ops.segment_sum(ones, dst, num_segments=n)
    deg_inv_sqrt = jnp.where(deg > 0, jax.lax.rsqrt(jnp.maximum(deg, 1e-12)), 0.0)
    norm = deg_inv_sqrt[src] * deg_inv_sqrt[dst]
    msg = norm[:, None] * jnp.take(x, src, axis=0)
    out = jax.ops.segment_sum(msg, dst, num_segments=n)
    return out + b


def reference(x, edge_index, W1, b1, W2, b2):
    h = jax.nn.relu(gcn_conv(x, edge_index, W1, b1))
    # F.dropout acts as identity in eval mode
    out = jax.nn.relu(gcn_conv(h, edge_index, W2, b2))
    return out

if __name__ == "__main__":
    import jax
    _d = setup_inputs()
    print(jax.jit(kernel)(*tuple(_d.values())))

</pallas_src>

<mosaic_0001>
#map = affine_map<(d0, d1) -> (0, 0, 0)>
#map1 = affine_map<(d0, d1) -> (0, 0)>
module attributes {stable_mosaic.version = 14 : i64} {
  func.func @scatter_kernel(%arg0: i32, %arg1: i32, %arg2: memref<32x80x128xi32, #tpu.memory_space<hbm>>, %arg3: memref<10240x16xf32, #tpu.memory_space<hbm>>, %arg4: memref<2x10240x16xf32, #tpu.memory_space<hbm>>, %arg5: memref<80x128xi32, #tpu.memory_space<vmem>>, %arg6: memref<80x128xi32, #tpu.memory_space<vmem>>, %arg7: memref<80x128xi32, #tpu.memory_space<vmem>>, %arg8: memref<5x128xi32, #tpu.memory_space<vmem>>, %arg9: memref<128x16xf32, #tpu.memory_space<vmem>>, %arg10: memref<128x16xf32, #tpu.memory_space<vmem>>, %arg11: memref<10240x16xf32, #tpu.memory_space<vmem_shared>>, %arg12: memref<!tpu.dma_semaphore, #tpu.memory_space<semaphore_mem>>) attributes {dimension_semantics = [#tpu.dimension_semantics<core_parallel>, #tpu.dimension_semantics<subcore_parallel>], iteration_bounds = array<i64: 2, 16>, scalar_prefetch = 0 : i64, scratch_operands = 8 : i64, tpu.core_type = #tpu.core_type<sc_vector_subcore>, window_params = [{transform_indices = #map}, {transform_indices = #map1}, {transform_indices = #map}]} {
    %mul3A = arith.constant 2 : i32
    %mul3A_0 = arith.muli %arg1, %mul3A : i32
    %add3A = arith.addi %mul3A_0, %arg0 : i32
    "tpu.region"() ({
      %run_scoped3A = tpu.sem_alloc : memref<!tpu.dma_semaphore, #tpu.memory_space<semaphore_mem>>
      %dma_start3A = arith.constant 0 : i32
      %dma_start3A_46 = arith.constant 0 : i32
      %dma_start3A_47 = tpu.memref_slice %arg2[%add3A, %dma_start3A, %dma_start3A_46] : memref<32x80x128xi32, #tpu.memory_space<hbm>> -> memref<1x80x128xi32, #tpu.memory_space<hbm>>
      %dma_start3A_48 = tpu.memref_squeeze %dma_start3A_47 : memref<1x80x128xi32, #tpu.memory_space<hbm>> -> memref<80x128xi32, #tpu.memory_space<hbm>>
      %dma_start3A_49 = arith.constant 0 : i32
      %dma_start3A_50 = arith.constant 0 : i32
      %dma_start3A_51 = tpu.memref_slice %arg2[%add3A, %dma_start3A_49, %dma_start3A_50] : memref<32x80x128xi32, #tpu.memory_space<hbm>> -> memref<1x80x128xi32, #tpu.memory_space<hbm>>
      %dma_start3A_52 = tpu.memref_squeeze %dma_start3A_51 : memref<1x80x128xi32, #tpu.memory_space<hbm>> -> memref<80x128xi32, #tpu.memory_space<hbm>>
      tpu.enqueue_dma source(%dma_start3A_52 : memref<80x128xi32, #tpu.memory_space<hbm>>) target(%arg5 : memref<80x128xi32, #tpu.memory_space<vmem>>) target_semaphore(%run_scoped3A : memref<!tpu.dma_semaphore, #tpu.memory_space<semaphore_mem>>)
      %dma_wait3A = arith.constant 0 : i32
      %dma_wait3A_53 = arith.constant 0 : i32
      %dma_wait3A_54 = tpu.memref_slice %arg2[%add3A, %dma_wait3A, %dma_wait3A_53] : memref<32x80x128xi32, #tpu.memory_space<hbm>> -> memref<1x80x128xi32, #tpu.memory_space<hbm>>
      %dma_wait3A_55 = tpu.memref_squeeze %dma_wait3A_54 : memref<1x80x128xi32, #tpu.memory_space<hbm>> -> memref<80x128xi32, #tpu.memory_space<hbm>>
      %dma_wait3A_56 = arith.constant 0 : i32
      %dma_wait3A_57 = arith.constant 0 : i32
      %dma_wait3A_58 = tpu.memref_slice %arg2[%add3A, %dma_wait3A_56, %dma_wait3A_57] : memref<32x80x128xi32, #tpu.memory_space<hbm>> -> memref<1x80x128xi32, #tpu.memory_space<hbm>>
      %dma_wait3A_59 = tpu.memref_squeeze %dma_wait3A_58 : memref<1x80x128xi32, #tpu.memory_space<hbm>> -> memref<80x128xi32, #tpu.memory_space<hbm>>
      tpu.wait_dma2 semaphore(%run_scoped3A : memref<!tpu.dma_semaphore, #tpu.memory_space<semaphore_mem>>) src(%dma_wait3A_59 : memref<80x128xi32, #tpu.memory_space<hbm>>) dst(%arg5 : memref<80x128xi32, #tpu.memory_space<vmem>>)
      tpu.yield
    }) : () -> ()
    %mul3A_1 = arith.constant 640 : i32
    %mul3A_2 = arith.muli %arg1, %mul3A_1 : i32
    %iota3A = tpu.iota {dimensions = array<i32: 0>} : vector<16xi32>
    %scan3A = arith.constant 0 : i32
    %scan3A_3 = arith.constant 0 : i32
    %scan3A_4 = arith.constant 40 : i32
    %scan3A_5 = arith.addi %scan3A_3, %scan3A_4 : i32
    %scan3A_6 = arith.constant 1 : i32
    %scan3A_7 = scf.for %scan3A_46 = %scan3A_3 to %scan3A_5 step %scan3A_6 iter_args(%scan3A_47 = %scan3A) -> (i32)  : i32 {
      %jit3A = arith.constant 8 : i32
      %div3A = arith.divsi %scan3A_46, %jit3A : i32
      %sign3A = arith.constant 0 : i32
      %sign3A_48 = arith.cmpi sgt, %scan3A_46, %sign3A : i32
      %sign3A_49 = arith.extui %sign3A_48 : i1 to i32
      %sign3A_50 = arith.constant 0 : i32
      %sign3A_51 = arith.cmpi slt, %scan3A_46, %sign3A_50 : i32
      %sign3A_52 = arith.extui %sign3A_51 : i1 to i32
      %sign3A_53 = arith.subi %sign3A_49, %sign3A_52 : i32
      %sign3A_54 = arith.constant 0 : i32
      %sign3A_55 = arith.cmpi sgt, %jit3A, %sign3A_54 : i32
      %sign3A_56 = arith.extui %sign3A_55 : i1 to i32
      %sign3A_57 = arith.constant 0 : i32
      %sign3A_58 = arith.cmpi slt, %jit3A, %sign3A_57 : i32
      %sign3A_59 = arith.extui %sign3A_58 : i1 to i32
      %sign3A_60 = arith.subi %sign3A_56, %sign3A_59 : i32
      %ne3A = arith.cmpi ne, %sign3A_53, %sign3A_60 : i32
      %rem3A = arith.remsi %scan3A_46, %jit3A : i32
      %ne3A_61 = arith.constant 0 : i32
      %ne3A_62 = arith.cmpi ne, %rem3A, %ne3A_61 : i32
      %and3A = arith.andi %ne3A, %ne3A_62 : i1
      %sub3A = arith.constant 1 : i32
      %sub3A_63 = arith.subi %div3A, %sub3A : i32
      %select_n3A = arith.select %and3A, %sub3A_63, %div3A : i32
      %jit3A_64 = arith.constant 8 : i32
      %eq3A = arith.constant 0 : i32
      %eq3A_65 = arith.cmpi eq, %jit3A_64, %eq3A : i32
      %jit3A_66 = arith.constant 1 : i32
      %select_n3A_67 = arith.select %eq3A_65, %jit3A_66, %jit3A_64 : i32
      %rem3A_68 = arith.remsi %scan3A_46, %select_n3A_67 : i32
      %ne3A_69 = arith.constant 0 : i32
      %ne3A_70 = arith.cmpi ne, %rem3A_68, %ne3A_69 : i32
      %lt3A = arith.constant 0 : i32
      %lt3A_71 = arith.cmpi slt, %rem3A_68, %lt3A : i32
      %lt3A_72 = arith.constant 0 : i32
      %lt3A_73 = arith.cmpi slt, %select_n3A_67, %lt3A_72 : i32
      %ne3A_74 = arith.xori %lt3A_71, %lt3A_73 : i1
      %and3A_75 = arith.andi %ne3A_74, %ne3A_70 : i1
      %add3A_76 = arith.addi %rem3A_68, %select_n3A_67 : i32
      %select_n3A_77 = arith.select %and3A_75, %add3A_76, %rem3A_68 : i32
      %mul3A_78 = arith.constant 16 : i32
      %mul3A_79 = arith.muli %scan3A_46, %mul3A_78 : i32
      %add3A_80 = vector.broadcast %mul3A_79 : i32 to vector<16xi32>
      %add3A_81 = arith.addi %iota3A, %add3A_80 : vector<16xi32>
      %add3A_82 = vector.broadcast %mul3A_2 : i32 to vector<16xi32>
      %add3A_83 = arith.addi %add3A_81, %add3A_82 : vector<16xi32>
      %mul3A_84 = arith.constant 16 : i32
      %mul3A_85 = arith.muli %select_n3A_77, %mul3A_84 : i32
      %swap3A = arith.index_cast %select_n3A : i32 to index
      %swap3A_86 = arith.index_cast %mul3A_85 : i32 to index
      %swap3A_87 = tpu.vector_load %arg8[%swap3A, %swap3A_86] {strides = array<i32>} : memref<5x128xi32, #tpu.memory_space<vmem>>, vector<1x16xi32>,
      %swap3A_88 = vector.shape_cast %swap3A_87 : vector<1x16xi32> to vector<16xi32>
      %swap3A_89 = vector.shape_cast %add3A_83 : vector<16xi32> to vector<1x16xi32>
      tpu.vector_store %arg8[%swap3A, %swap3A_86], %swap3A_89 {strides = array<i32>} : memref<5x128xi32, #tpu.memory_space<vmem>>, vector<1x16xi32>,
      %scan3A_90 = arith.constant 0 : i32
      scf.yield %scan3A_90 : i32
    }
    %scan3A_8 = arith.constant 40 : i32
    %broadcast_in_dim3A = arith.constant 0.000000e+00 : f32
    %broadcast_in_dim3A_9 = vector.broadcast %broadcast_in_dim3A : f32 to vector<16xf32>
    %scan3A_10 = arith.constant 0 : i32
    %scan3A_11 = arith.constant 0 : i32
    %scan3A_12 = arith.constant 128 : i32
    %scan3A_13 = arith.addi %scan3A_11, %scan3A_12 : i32
    %scan3A_14 = arith.constant 1 : i32
    %scan3A_15 = scf.for %scan3A_46 = %scan3A_11 to %scan3A_13 step %scan3A_14 iter_args(%scan3A_47 = %scan3A_10) -> (i32)  : i32 {
      %jit3A = arith.constant 1 : i32
      %div3A = arith.divsi %scan3A_46, %jit3A : i32
      %sign3A = arith.constant 0 : i32
      %sign3A_48 = arith.cmpi sgt, %scan3A_46, %sign3A : i32
      %sign3A_49 = arith.extui %sign3A_48 : i1 to i32
      %sign3A_50 = arith.constant 0 : i32
      %sign3A_51 = arith.cmpi slt, %scan3A_46, %sign3A_50 : i32
      %sign3A_52 = arith.extui %sign3A_51 : i1 to i32
      %sign3A_53 = arith.subi %sign3A_49, %sign3A_52 : i32
      %sign3A_54 = arith.constant 0 : i32
      %sign3A_55 = arith.cmpi sgt, %jit3A, %sign3A_54 : i32
      %sign3A_56 = arith.extui %sign3A_55 : i1 to i32
      %sign3A_57 = arith.constant 0 : i32
      %sign3A_58 = arith.cmpi slt, %jit3A, %sign3A_57 : i32
      %sign3A_59 = arith.extui %sign3A_58 : i1 to i32
      %sign3A_60 = arith.subi %sign3A_56, %sign3A_59 : i32
      %ne3A = arith.cmpi ne, %sign3A_53, %sign3A_60 : i32
      %rem3A = arith.remsi %scan3A_46, %jit3A : i32
      %ne3A_61 = arith.constant 0 : i32
      %ne3A_62 = arith.cmpi ne, %rem3A, %ne3A_61 : i32
      %and3A = arith.andi %ne3A, %ne3A_62 : i1
      %sub3A = arith.constant 1 : i32
      %sub3A_63 = arith.subi %div3A, %sub3A : i32
      %select_n3A = arith.select %and3A, %sub3A_63, %div3A : i32
      %jit3A_64 = arith.constant 1 : i32
      %eq3A = arith.constant 0 : i32
      %eq3A_65 = arith.cmpi eq, %jit3A_64, %eq3A : i32
      %jit3A_66 = arith.constant 1 : i32
      %select_n3A_67 = arith.select %eq3A_65, %jit3A_66, %jit3A_64 : i32
      %rem3A_68 = arith.remsi %scan3A_46, %select_n3A_67 : i32
      %ne3A_69 = arith.constant 0 : i32
      %ne3A_70 = arith.cmpi ne, %rem3A_68, %ne3A_69 : i32
      %lt3A = arith.constant 0 : i32
      %lt3A_71 = arith.cmpi slt, %rem3A_68, %lt3A : i32
      %lt3A_72 = arith.constant 0 : i32
      %lt3A_73 = arith.cmpi slt, %select_n3A_67, %lt3A_72 : i32
      %ne3A_74 = arith.xori %lt3A_71, %lt3A_73 : i1
      %and3A_75 = arith.andi %ne3A_74, %ne3A_70 : i1
      %add3A_76 = arith.addi %rem3A_68, %select_n3A_67 : i32
      %select_n3A_77 = arith.select %and3A_75, %add3A_76, %rem3A_68 : i32
      %mul3A_78 = arith.constant 16 : i32
      %mul3A_79 = arith.muli %select_n3A_77, %mul3A_78 : i32
      %swap3A = arith.index_cast %select_n3A : i32 to index
      %swap3A_80 = arith.index_cast %mul3A_79 : i32 to index
      %swap3A_81 = tpu.vector_load %arg10[%swap3A, %swap3A_80] {strides = array<i32>} : memref<128x16xf32, #tpu.memory_space<vmem>>, vector<1x16xf32>,
      %swap3A_82 = vector.shape_cast %swap3A_81 : vector<1x16xf32> to vector<16xf32>
      %swap3A_83 = vector.shape_cast %broadcast_in_dim3A_9 : vector<16xf32> to vector<1x16xf32>
      tpu.vector_store %arg10[%swap3A, %swap3A_80], %swap3A_83 {strides = array<i32>} : memref<128x16xf32, #tpu.memory_space<vmem>>, vector<1x16xf32>,
      %scan3A_84 = arith.constant 0 : i32
      scf.yield %scan3A_84 : i32
    }
    %scan3A_16 = arith.constant 128 : i32
    %scan3A_17 = arith.constant 0 : i32
    %scan3A_18 = arith.constant 0 : i32
    %scan3A_19 = arith.constant 640 : i32
    %scan3A_20 = arith.addi %scan3A_18, %scan3A_19 : i32
    %scan3A_21 = arith.constant 1 : i32
    %scan3A_22 = scf.for %scan3A_46 = %scan3A_18 to %scan3A_20 step %scan3A_21 iter_args(%scan3A_47 = %scan3A_17) -> (i32)  : i32 {
      %jit3A = arith.constant 8 : i32
      %div3A = arith.divsi %scan3A_46, %jit3A : i32
      %sign3A = arith.constant 0 : i32
      %sign3A_48 = arith.cmpi sgt, %scan3A_46, %sign3A : i32
      %sign3A_49 = arith.extui %sign3A_48 : i1 to i32
      %sign3A_50 = arith.constant 0 : i32
      %sign3A_51 = arith.cmpi slt, %scan3A_46, %sign3A_50 : i32
      %sign3A_52 = arith.extui %sign3A_51 : i1 to i32
      %sign3A_53 = arith.subi %sign3A_49, %sign3A_52 : i32
      %sign3A_54 = arith.constant 0 : i32
      %sign3A_55 = arith.cmpi sgt, %jit3A, %sign3A_54 : i32
      %sign3A_56 = arith.extui %sign3A_55 : i1 to i32
      %sign3A_57 = arith.constant 0 : i32
      %sign3A_58 = arith.cmpi slt, %jit3A, %sign3A_57 : i32
      %sign3A_59 = arith.extui %sign3A_58 : i1 to i32
      %sign3A_60 = arith.subi %sign3A_56, %sign3A_59 : i32
      %ne3A = arith.cmpi ne, %sign3A_53, %sign3A_60 : i32
      %rem3A = arith.remsi %scan3A_46, %jit3A : i32
      %ne3A_61 = arith.constant 0 : i32
      %ne3A_62 = arith.cmpi ne, %rem3A, %ne3A_61 : i32
      %and3A = arith.andi %ne3A, %ne3A_62 : i1
      %sub3A = arith.constant 1 : i32
      %sub3A_63 = arith.subi %div3A, %sub3A : i32
      %select_n3A = arith.select %and3A, %sub3A_63, %div3A : i32
      %jit3A_64 = arith.constant 8 : i32
      %eq3A = arith.constant 0 : i32
      %eq3A_65 = arith.cmpi eq, %jit3A_64, %eq3A : i32
      %jit3A_66 = arith.constant 1 : i32
      %select_n3A_67 = arith.select %eq3A_65, %jit3A_66, %jit3A_64 : i32
      %rem3A_68 = arith.remsi %scan3A_46, %select_n3A_67 : i32
      %ne3A_69 = arith.constant 0 : i32
      %ne3A_70 = arith.cmpi ne, %rem3A_68, %ne3A_69 : i32
      %lt3A = arith.constant 0 : i32
      %lt3A_71 = arith.cmpi slt, %rem3A_68, %lt3A : i32
      %lt3A_72 = arith.constant 0 : i32
      %lt3A_73 = arith.cmpi slt, %select_n3A_67, %lt3A_72 : i32
      %ne3A_74 = arith.xori %lt3A_71, %lt3A_73 : i1
      %and3A_75 = arith.andi %ne3A_74, %ne3A_70 : i1
      %add3A_76 = arith.addi %rem3A_68, %select_n3A_67 : i32
      %select_n3A_77 = arith.select %and3A_75, %add3A_76, %rem3A_68 : i32
      %mul3A_78 = arith.constant 16 : i32
      %mul3A_79 = arith.muli %select_n3A_77, %mul3A_78 : i32
      %get3A = arith.index_cast %select_n3A : i32 to index
      %get3A_80 = arith.index_cast %mul3A_79 : i32 to index
      %get3A_81 = tpu.vector_load %arg5[%get3A, %get3A_80] {strides = array<i32>} : memref<80x128xi32, #tpu.memory_space<vmem>>, vector<1x16xi32>,
      %get3A_82 = vector.shape_cast %get3A_81 : vector<1x16xi32> to vector<16xi32>
      %shift_right_logical3A = arith.constant 14 : i32
      %shift_right_logical3A_83 = vector.broadcast %shift_right_logical3A : i32 to vector<16xi32>
      %shift_right_logical3A_84 = arith.shrui %get3A_82, %shift_right_logical3A_83 : vector<16xi32>
      %mul3A_85 = arith.constant 16 : i32
      %mul3A_86 = arith.muli %select_n3A_77, %mul3A_85 : i32
      %swap3A = arith.index_cast %select_n3A : i32 to index
      %swap3A_87 = arith.index_cast %mul3A_86 : i32 to index
      %swap3A_88 = tpu.vector_load %arg6[%swap3A, %swap3A_87] {strides = array<i32>} : memref<80x128xi32, #tpu.memory_space<vmem>>, vector<1x16xi32>,
      %swap3A_89 = vector.shape_cast %swap3A_88 : vector<1x16xi32> to vector<16xi32>
      %swap3A_90 = vector.shape_cast %shift_right_logical3A_84 : vector<16xi32> to vector<1x16xi32>
      tpu.vector_store %arg6[%swap3A, %swap3A_87], %swap3A_90 {strides = array<i32>} : memref<80x128xi32, #tpu.memory_space<vmem>>, vector<1x16xi32>,
      %and3A_91 = arith.constant 16383 : i32
      %and3A_92 = vector.broadcast %and3A_91 : i32 to vector<16xi32>
      %and3A_93 = arith.andi %get3A_82, %and3A_92 : vector<16xi32>
      %mul3A_94 = arith.constant 16 : i32
      %mul3A_95 = arith.muli %select_n3A_77, %mul3A_94 : i32
      %swap3A_96 = arith.index_cast %select_n3A : i32 to index
      %swap3A_97 = arith.index_cast %mul3A_95 : i32 to index
      %swap3A_98 = tpu.vector_load %arg7[%swap3A_96, %swap3A_97] {strides = array<i32>} : memref<80x128xi32, #tpu.memory_space<vmem>>, vector<1x16xi32>,
      %swap3A_99 = vector.shape_cast %swap3A_98 : vector<1x16xi32> to vector<16xi32>
      %swap3A_100 = vector.shape_cast %and3A_93 : vector<16xi32> to vector<1x16xi32>
      tpu.vector_store %arg7[%swap3A_96, %swap3A_97], %swap3A_100 {strides = array<i32>} : memref<80x128xi32, #tpu.memory_space<vmem>>, vector<1x16xi32>,
      %scan3A_101 = arith.constant 0 : i32
      scf.yield %scan3A_101 : i32
    }
    %scan3A_23 = arith.constant 640 : i32
    %scan3A_24 = arith.constant 0 : i32
    %scan3A_25 = arith.constant 0 : i32
    %scan3A_26 = arith.constant 5 : i32
    %scan3A_27 = arith.addi %scan3A_25, %scan3A_26 : i32
    %scan3A_28 = arith.constant 1 : i32
    %scan3A_29 = scf.for %scan3A_46 = %scan3A_25 to %scan3A_27 step %scan3A_28 iter_args(%scan3A_47 = %scan3A_24) -> (i32)  : i32 {
      "tpu.region"() ({
        %run_scoped3A = tpu.sem_alloc : memref<!tpu.dma_semaphore, #tpu.memory_space<semaphore_mem>>
        %dma_start3A = arith.constant 0 : i32
        %dma_start3A_49 = tpu.memref_slice %arg8[%scan3A_46, %dma_start3A] : memref<5x128xi32, #tpu.memory_space<vmem>> -> memref<1x128xi32, #tpu.memory_space<vmem>>
        %dma_start3A_50 = tpu.memref_squeeze %dma_start3A_49 : memref<1x128xi32, #tpu.memory_space<vmem>> -> memref<128xi32, #tpu.memory_space<vmem>>
        %dma_start3A_51 = arith.constant 0 : i32
        %dma_start3A_52 = arith.constant 0 : i32
        %dma_start3A_53 = tpu.memref_slice %arg11[%dma_start3A_51, %dma_start3A_52] : memref<10240x16xf32, #tpu.memory_space<vmem_shared>> -> memref<10240x16xf32, #tpu.memory_space<vmem_shared>>
        tpu.enqueue_indirect_dma source(%arg10 : memref<128x16xf32, #tpu.memory_space<vmem>>) target(%dma_start3A_53 : memref<10240x16xf32, #tpu.memory_space<vmem_shared>>) offsets(%dma_start3A_50 : memref<128xi32, #tpu.memory_space<vmem>>) semaphore(%run_scoped3A : memref<!tpu.dma_semaphore, #tpu.memory_space<semaphore_mem>>)
        %dma_wait3A = arith.constant 0 : i32
        %dma_wait3A_54 = tpu.memref_slice %arg8[%scan3A_46, %dma_wait3A] : memref<5x128xi32, #tpu.memory_space<vmem>> -> memref<1x128xi32, #tpu.memory_space<vmem>>
        %dma_wait3A_55 = tpu.memref_squeeze %dma_wait3A_54 : memref<1x128xi32, #tpu.memory_space<vmem>> -> memref<128xi32, #tpu.memory_space<vmem>>
        %dma_wait3A_56 = arith.constant 0 : i32
        %dma_wait3A_57 = arith.constant 0 : i32
        %dma_wait3A_58 = tpu.memref_slice %arg11[%dma_wait3A_56, %dma_wait3A_57] : memref<10240x16xf32, #tpu.memory_space<vmem_shared>> -> memref<10240x16xf32, #tpu.memory_space<vmem_shared>>
        tpu.wait_indirect_dma semaphore(%run_scoped3A : memref<!tpu.dma_semaphore, #tpu.memory_space<semaphore_mem>>) src(%arg10 : memref<128x16xf32, #tpu.memory_space<vmem>>) dst(%dma_wait3A_58 : memref<10240x16xf32, #tpu.memory_space<vmem_shared>>)
        tpu.yield
      }) : () -> ()
      %scan3A_48 = arith.constant 0 : i32
      scf.yield %scan3A_48 : i32
    }
    %scan3A_30 = arith.constant 5 : i32
    %barrier3A = arith.constant 0 : index
    tpu.barrier barrier_id(%barrier3A)
    %scan3A_31 = arith.constant 0 : i32
    %scan3A_32 = arith.constant 0 : i32
    %scan3A_33 = arith.constant 80 : i32
    %scan3A_34 = arith.addi %scan3A_32, %scan3A_33 : i32
    %scan3A_35 = arith.constant 1 : i32
    %scan3A_36 = scf.for %scan3A_46 = %scan3A_32 to %scan3A_34 step %scan3A_35 iter_args(%scan3A_47 = %scan3A_31) -> (i32)  : i32 {
      %dma_start3A = arith.constant 0 : i32
      %dma_start3A_48 = tpu.memref_slice %arg6[%scan3A_46, %dma_start3A] : memref<80x128xi32, #tpu.memory_space<vmem>> -> memref<1x128xi32, #tpu.memory_space<vmem>>
      %dma_start3A_49 = tpu.memref_squeeze %dma_start3A_48 : memref<1x128xi32, #tpu.memory_space<vmem>> -> memref<128xi32, #tpu.memory_space<vmem>>
      %dma_start3A_50 = arith.constant 0 : i32
      %dma_start3A_51 = arith.constant 0 : i32
      %dma_start3A_52 = tpu.memref_slice %arg3[%dma_start3A_50, %dma_start3A_51] : memref<10240x16xf32, #tpu.memory_space<hbm>> -> memref<10240x16xf32, #tpu.memory_space<hbm>>
      tpu.enqueue_indirect_dma source(%dma_start3A_52 : memref<10240x16xf32, #tpu.memory_space<hbm>>) target(%arg9 : memref<128x16xf32, #tpu.memory_space<vmem>>) offsets(%dma_start3A_49 : memref<128xi32, #tpu.memory_space<vmem>>) semaphore(%arg12 : memref<!tpu.dma_semaphore, #tpu.memory_space<semaphore_mem>>)
      %dma_wait3A = arith.constant 0 : i32
      %dma_wait3A_53 = tpu.memref_slice %arg6[%scan3A_46, %dma_wait3A] : memref<80x128xi32, #tpu.memory_space<vmem>> -> memref<1x128xi32, #tpu.memory_space<vmem>>
      %dma_wait3A_54 = tpu.memref_squeeze %dma_wait3A_53 : memref<1x128xi32, #tpu.memory_space<vmem>> -> memref<128xi32, #tpu.memory_space<vmem>>
      %dma_wait3A_55 = arith.constant 0 : i32
      %dma_wait3A_56 = arith.constant 0 : i32
      %dma_wait3A_57 = tpu.memref_slice %arg3[%dma_wait3A_55, %dma_wait3A_56] : memref<10240x16xf32, #tpu.memory_space<hbm>> -> memref<10240x16xf32, #tpu.memory_space<hbm>>
      tpu.wait_indirect_dma semaphore(%arg12 : memref<!tpu.dma_semaphore, #tpu.memory_space<semaphore_mem>>) src(%dma_wait3A_57 : memref<10240x16xf32, #tpu.memory_space<hbm>>) dst(%arg9 : memref<128x16xf32, #tpu.memory_space<vmem>>)
      "tpu.region"() ({
        %run_scoped3A = tpu.sem_alloc : memref<!tpu.dma_semaphore, #tpu.memory_space<semaphore_mem>>
        %dma_start3A_59 = arith.constant 0 : i32
        %dma_start3A_60 = tpu.memref_slice %arg7[%scan3A_46, %dma_start3A_59] : memref<80x128xi32, #tpu.memory_space<vmem>> -> memref<1x128xi32, #tpu.memory_space<vmem>>
        %dma_start3A_61 = tpu.memref_squeeze %dma_start3A_60 : memref<1x128xi32, #tpu.memory_space<vmem>> -> memref<128xi32, #tpu.memory_space<vmem>>
        %dma_start3A_62 = arith.constant 0 : i32
        %dma_start3A_63 = arith.constant 0 : i32
        %dma_start3A_64 = tpu.memref_slice %arg11[%dma_start3A_62, %dma_start3A_63] : memref<10240x16xf32, #tpu.memory_space<vmem_shared>> -> memref<10240x16xf32, #tpu.memory_space<vmem_shared>>
        tpu.enqueue_indirect_dma source(%arg9 : memref<128x16xf32, #tpu.memory_space<vmem>>) target(%dma_start3A_64 : memref<10240x16xf32, #tpu.memory_space<vmem_shared>>) offsets(%dma_start3A_61 : memref<128xi32, #tpu.memory_space<vmem>>) semaphore(%run_scoped3A : memref<!tpu.dma_semaphore, #tpu.memory_space<semaphore_mem>>) {add = true}
        %dma_wait3A_65 = arith.constant 0 : i32
        %dma_wait3A_66 = tpu.memref_slice %arg7[%scan3A_46, %dma_wait3A_65] : memref<80x128xi32, #tpu.memory_space<vmem>> -> memref<1x128xi32, #tpu.memory_space<vmem>>
        %dma_wait3A_67 = tpu.memref_squeeze %dma_wait3A_66 : memref<1x128xi32, #tpu.memory_space<vmem>> -> memref<128xi32, #tpu.memory_space<vmem>>
        %dma_wait3A_68 = arith.constant 0 : i32
        %dma_wait3A_69 = arith.constant 0 : i32
        %dma_wait3A_70 = tpu.memref_slice %arg11[%dma_wait3A_68, %dma_wait3A_69] : memref<10240x16xf32, #tpu.memory_space<vmem_shared>> -> memref<10240x16xf32, #tpu.memory_space<vmem_shared>>
        tpu.wait_indirect_dma semaphore(%run_scoped3A : memref<!tpu.dma_semaphore, #tpu.memory_space<semaphore_mem>>) src(%arg9 : memref<128x16xf32, #tpu.memory_space<vmem>>) dst(%dma_wait3A_70 : memref<10240x16xf32, #tpu.memory_space<vmem_shared>>)
        tpu.yield
      }) : () -> ()
      %scan3A_58 = arith.constant 0 : i32
      scf.yield %scan3A_58 : i32
    }
    %scan3A_37 = arith.constant 80 : i32
    %barrier3A_38 = arith.constant 0 : index
    tpu.barrier barrier_id(%barrier3A_38)
    %scan3A_39 = arith.constant 0 : i32
    %scan3A_40 = arith.constant 0 : i32
    %scan3A_41 = arith.constant 5 : i32
    %scan3A_42 = arith.addi %scan3A_40, %scan3A_41 : i32
    %scan3A_43 = arith.constant 1 : i32
    %scan3A_44 = scf.for %scan3A_46 = %scan3A_40 to %scan3A_42 step %scan3A_43 iter_args(%scan3A_47 = %scan3A_39) -> (i32)  : i32 {
      %dma_start3A = arith.constant 0 : i32
      %dma_start3A_48 = tpu.memref_slice %arg8[%scan3A_46, %dma_start3A] : memref<5x128xi32, #tpu.memory_space<vmem>> -> memref<1x128xi32, #tpu.memory_space<vmem>>
      %dma_start3A_49 = tpu.memref_squeeze %dma_start3A_48 : memref<1x128xi32, #tpu.memory_space<vmem>> -> memref<128xi32, #tpu.memory_space<vmem>>
      %dma_start3A_50 = arith.constant 0 : i32
      %dma_start3A_51 = arith.constant 0 : i32
      %dma_start3A_52 = tpu.memref_slice %arg11[%dma_start3A_50, %dma_start3A_51] : memref<10240x16xf32, #tpu.memory_space<vmem_shared>> -> memref<10240x16xf32, #tpu.memory_space<vmem_shared>>
      tpu.enqueue_indirect_dma source(%dma_start3A_52 : memref<10240x16xf32, #tpu.memory_space<vmem_shared>>) target(%arg10 : memref<128x16xf32, #tpu.memory_space<vmem>>) offsets(%dma_start3A_49 : memref<128xi32, #tpu.memory_space<vmem>>) semaphore(%arg12 : memref<!tpu.dma_semaphore, #tpu.memory_space<semaphore_mem>>)
      %dma_wait3A = arith.constant 0 : i32
      %dma_wait3A_53 = tpu.memref_slice %arg8[%scan3A_46, %dma_wait3A] : memref<5x128xi32, #tpu.memory_space<vmem>> -> memref<1x128xi32, #tpu.memory_space<vmem>>
      %dma_wait3A_54 = tpu.memref_squeeze %dma_wait3A_53 : memref<1x128xi32, #tpu.memory_space<vmem>> -> memref<128xi32, #tpu.memory_space<vmem>>
      %dma_wait3A_55 = arith.constant 0 : i32
      %dma_wait3A_56 = arith.constant 0 : i32
      %dma_wait3A_57 = tpu.memref_slice %arg11[%dma_wait3A_55, %dma_wait3A_56] : memref<10240x16xf32, #tpu.memory_space<vmem_shared>> -> memref<10240x16xf32, #tpu.memory_space<vmem_shared>>
      tpu.wait_indirect_dma semaphore(%arg12 : memref<!tpu.dma_semaphore, #tpu.memory_space<semaphore_mem>>) src(%dma_wait3A_57 : memref<10240x16xf32, #tpu.memory_space<vmem_shared>>) dst(%arg10 : memref<128x16xf32, #tpu.memory_space<vmem>>)
      %mul3A_58 = arith.constant 640 : i32
      %mul3A_59 = arith.muli %arg1, %mul3A_58 : i32
      %mul3A_60 = arith.constant 128 : i32
      %mul3A_61 = arith.muli %scan3A_46, %mul3A_60 : i32
      %add3A_62 = arith.addi %mul3A_59, %mul3A_61 : i32
      "tpu.region"() ({
        %run_scoped3A = tpu.sem_alloc : memref<!tpu.dma_semaphore, #tpu.memory_space<semaphore_mem>>
        %dma_start3A_64 = arith.constant 0 : i32
        %dma_start3A_65 = tpu.memref_slice %arg4[%arg0, %add3A_62, %dma_start3A_64] : memref<2x10240x16xf32, #tpu.memory_space<hbm>> -> memref<1x128x16xf32, #tpu.memory_space<hbm>>
        %dma_start3A_66 = tpu.memref_squeeze %dma_start3A_65 : memref<1x128x16xf32, #tpu.memory_space<hbm>> -> memref<128x16xf32, #tpu.memory_space<hbm>>
        %dma_start3A_67 = arith.constant 0 : i32
        %dma_start3A_68 = tpu.memref_slice %arg4[%arg0, %add3A_62, %dma_start3A_67] : memref<2x10240x16xf32, #tpu.memory_space<hbm>> -> memref<1x128x16xf32, #tpu.memory_space<hbm>>
        %dma_start3A_69 = tpu.memref_squeeze %dma_start3A_68 : memref<1x128x16xf32, #tpu.memory_space<hbm>> -> memref<128x16xf32, #tpu.memory_space<hbm>>
        tpu.enqueue_dma source(%arg10 : memref<128x16xf32, #tpu.memory_space<vmem>>) target(%dma_start3A_69 : memref<128x16xf32, #tpu.memory_space<hbm>>) target_semaphore(%run_scoped3A : memref<!tpu.dma_semaphore, #tpu.memory_space<semaphore_mem>>)
        %dma_wait3A_70 = arith.constant 0 : i32
        %dma_wait3A_71 = tpu.memref_slice %arg4[%arg0, %add3A_62, %dma_wait3A_70] : memref<2x10240x16xf32, #tpu.memory_space<hbm>> -> memref<1x128x16xf32, #tpu.memory_space<hbm>>
        %dma_wait3A_72 = tpu.memref_squeeze %dma_wait3A_71 : memref<1x128x16xf32, #tpu.memory_space<hbm>> -> memref<128x16xf32, #tpu.memory_space<hbm>>
        %dma_wait3A_73 = arith.constant 0 : i32
        %dma_wait3A_74 = tpu.memref_slice %arg4[%arg0, %add3A_62, %dma_wait3A_73] : memref<2x10240x16xf32, #tpu.memory_space<hbm>> -> memref<1x128x16xf32, #tpu.memory_space<hbm>>
        %dma_wait3A_75 = tpu.memref_squeeze %dma_wait3A_74 : memref<1x128x16xf32, #tpu.memory_space<hbm>> -> memref<128x16xf32, #tpu.memory_space<hbm>>
        tpu.wait_dma2 semaphore(%run_scoped3A : memref<!tpu.dma_semaphore, #tpu.memory_space<semaphore_mem>>) src(%arg10 : memref<128x16xf32, #tpu.memory_space<vmem>>) dst(%dma_wait3A_75 : memref<128x16xf32, #tpu.memory_space<hbm>>)
        tpu.yield
      }) : () -> ()
      %scan3A_63 = arith.constant 0 : i32
      scf.yield %scan3A_63 : i32
    }
    %scan3A_45 = arith.constant 5 : i32
    return
  }
}

#map = affine_map<(d0, d1) -> (0, 0, 0)>
module attributes {stable_mosaic.version = 14 : i64} {
  func.func @deg_kernel(%arg0: i32, %arg1: i32, %arg2: memref<32x80x128xi32, #tpu.memory_space<hbm>>, %arg3: memref<2x10240x16xf32, #tpu.memory_space<hbm>>, %arg4: memref<80x128xi32, #tpu.memory_space<vmem>>, %arg5: memref<5x128xi32, #tpu.memory_space<vmem>>, %arg6: memref<128x16xf32, #tpu.memory_space<vmem>>, %arg7: memref<128x16xf32, #tpu.memory_space<vmem>>, %arg8: memref<10240x16xf32, #tpu.memory_space<vmem_shared>>, %arg9: memref<!tpu.dma_semaphore, #tpu.memory_space<semaphore_mem>>) attributes {dimension_semantics = [#tpu.dimension_semantics<core_parallel>, #tpu.dimension_semantics<subcore_parallel>], iteration_bounds = array<i64: 2, 16>, scalar_prefetch = 0 : i64, scratch_operands = 6 : i64, tpu.core_type = #tpu.core_type<sc_vector_subcore>, window_params = [{transform_indices = #map}, {transform_indices = #map}]} {
    %mul3A = arith.constant 2 : i32
    %mul3A_0 = arith.muli %arg1, %mul3A : i32
    %add3A = arith.addi %mul3A_0, %arg0 : i32
    "tpu.region"() ({
      %run_scoped3A = tpu.sem_alloc : memref<!tpu.dma_semaphore, #tpu.memory_space<semaphore_mem>>
      %dma_start3A = arith.constant 0 : i32
      %dma_start3A_48 = arith.constant 0 : i32
      %dma_start3A_49 = tpu.memref_slice %arg2[%add3A, %dma_start3A, %dma_start3A_48] : memref<32x80x128xi32, #tpu.memory_space<hbm>> -> memref<1x80x128xi32, #tpu.memory_space<hbm>>
      %dma_start3A_50 = tpu.memref_squeeze %dma_start3A_49 : memref<1x80x128xi32, #tpu.memory_space<hbm>> -> memref<80x128xi32, #tpu.memory_space<hbm>>
      %dma_start3A_51 = arith.constant 0 : i32
      %dma_start3A_52 = arith.constant 0 : i32
      %dma_start3A_53 = tpu.memref_slice %arg2[%add3A, %dma_start3A_51, %dma_start3A_52] : memref<32x80x128xi32, #tpu.memory_space<hbm>> -> memref<1x80x128xi32, #tpu.memory_space<hbm>>
      %dma_start3A_54 = tpu.memref_squeeze %dma_start3A_53 : memref<1x80x128xi32, #tpu.memory_space<hbm>> -> memref<80x128xi32, #tpu.memory_space<hbm>>
      tpu.enqueue_dma source(%dma_start3A_54 : memref<80x128xi32, #tpu.memory_space<hbm>>) target(%arg4 : memref<80x128xi32, #tpu.memory_space<vmem>>) target_semaphore(%run_scoped3A : memref<!tpu.dma_semaphore, #tpu.memory_space<semaphore_mem>>)
      %dma_wait3A = arith.constant 0 : i32
      %dma_wait3A_55 = arith.constant 0 : i32
      %dma_wait3A_56 = tpu.memref_slice %arg2[%add3A, %dma_wait3A, %dma_wait3A_55] : memref<32x80x128xi32, #tpu.memory_space<hbm>> -> memref<1x80x128xi32, #tpu.memory_space<hbm>>
      %dma_wait3A_57 = tpu.memref_squeeze %dma_wait3A_56 : memref<1x80x128xi32, #tpu.memory_space<hbm>> -> memref<80x128xi32, #tpu.memory_space<hbm>>
      %dma_wait3A_58 = arith.constant 0 : i32
      %dma_wait3A_59 = arith.constant 0 : i32
      %dma_wait3A_60 = tpu.memref_slice %arg2[%add3A, %dma_wait3A_58, %dma_wait3A_59] : memref<32x80x128xi32, #tpu.memory_space<hbm>> -> memref<1x80x128xi32, #tpu.memory_space<hbm>>
      %dma_wait3A_61 = tpu.memref_squeeze %dma_wait3A_60 : memref<1x80x128xi32, #tpu.memory_space<hbm>> -> memref<80x128xi32, #tpu.memory_space<hbm>>
      tpu.wait_dma2 semaphore(%run_scoped3A : memref<!tpu.dma_semaphore, #tpu.memory_space<semaphore_mem>>) src(%dma_wait3A_61 : memref<80x128xi32, #tpu.memory_space<hbm>>) dst(%arg4 : memref<80x128xi32, #tpu.memory_space<vmem>>)
      tpu.yield
    }) : () -> ()
    %mul3A_1 = arith.constant 640 : i32
    %mul3A_2 = arith.muli %arg1, %mul3A_1 : i32
    %iota3A = tpu.iota {dimensions = array<i32: 0>} : vector<16xi32>
    %scan3A = arith.constant 0 : i32
    %scan3A_3 = arith.constant 0 : i32
    %scan3A_4 = arith.constant 40 : i32
    %scan3A_5 = arith.addi %scan3A_3, %scan3A_4 : i32
    %scan3A_6 = arith.constant 1 : i32
    %scan3A_7 = scf.for %scan3A_48 = %scan3A_3 to %scan3A_5 step %scan3A_6 iter_args(%scan3A_49 = %scan3A) -> (i32)  : i32 {
      %jit3A = arith.constant 8 : i32
      %div3A = arith.divsi %scan3A_48, %jit3A : i32
      %sign3A = arith.constant 0 : i32
      %sign3A_50 = arith.cmpi sgt, %scan3A_48, %sign3A : i32
      %sign3A_51 = arith.extui %sign3A_50 : i1 to i32
      %sign3A_52 = arith.constant 0 : i32
      %sign3A_53 = arith.cmpi slt, %scan3A_48, %sign3A_52 : i32
      %sign3A_54 = arith.extui %sign3A_53 : i1 to i32
      %sign3A_55 = arith.subi %sign3A_51, %sign3A_54 : i32
      %sign3A_56 = arith.constant 0 : i32
      %sign3A_57 = arith.cmpi sgt, %jit3A, %sign3A_56 : i32
      %sign3A_58 = arith.extui %sign3A_57 : i1 to i32
      %sign3A_59 = arith.constant 0 : i32
      %sign3A_60 = arith.cmpi slt, %jit3A, %sign3A_59 : i32
      %sign3A_61 = arith.extui %sign3A_60 : i1 to i32
      %sign3A_62 = arith.subi %sign3A_58, %sign3A_61 : i32
      %ne3A = arith.cmpi ne, %sign3A_55, %sign3A_62 : i32
      %rem3A = arith.remsi %scan3A_48, %jit3A : i32
      %ne3A_63 = arith.constant 0 : i32
      %ne3A_64 = arith.cmpi ne, %rem3A, %ne3A_63 : i32
      %and3A = arith.andi %ne3A, %ne3A_64 : i1
      %sub3A = arith.constant 1 : i32
      %sub3A_65 = arith.subi %div3A, %sub3A : i32
      %select_n3A = arith.select %and3A, %sub3A_65, %div3A : i32
      %jit3A_66 = arith.constant 8 : i32
      %eq3A = arith.constant 0 : i32
      %eq3A_67 = arith.cmpi eq, %jit3A_66, %eq3A : i32
      %jit3A_68 = arith.constant 1 : i32
      %select_n3A_69 = arith.select %eq3A_67, %jit3A_68, %jit3A_66 : i32
      %rem3A_70 = arith.remsi %scan3A_48, %select_n3A_69 : i32
      %ne3A_71 = arith.constant 0 : i32
      %ne3A_72 = arith.cmpi ne, %rem3A_70, %ne3A_71 : i32
      %lt3A = arith.constant 0 : i32
      %lt3A_73 = arith.cmpi slt, %rem3A_70, %lt3A : i32
      %lt3A_74 = arith.constant 0 : i32
      %lt3A_75 = arith.cmpi slt, %select_n3A_69, %lt3A_74 : i32
      %ne3A_76 = arith.xori %lt3A_73, %lt3A_75 : i1
      %and3A_77 = arith.andi %ne3A_76, %ne3A_72 : i1
      %add3A_78 = arith.addi %rem3A_70, %select_n3A_69 : i32
      %select_n3A_79 = arith.select %and3A_77, %add3A_78, %rem3A_70 : i32
      %mul3A_80 = arith.constant 16 : i32
      %mul3A_81 = arith.muli %scan3A_48, %mul3A_80 : i32
      %add3A_82 = vector.broadcast %mul3A_81 : i32 to vector<16xi32>
      %add3A_83 = arith.addi %iota3A, %add3A_82 : vector<16xi32>
      %add3A_84 = vector.broadcast %mul3A_2 : i32 to vector<16xi32>
      %add3A_85 = arith.addi %add3A_83, %add3A_84 : vector<16xi32>
      %mul3A_86 = arith.constant 16 : i32
      %mul3A_87 = arith.muli %select_n3A_79, %mul3A_86 : i32
      %swap3A = arith.index_cast %select_n3A : i32 to index
      %swap3A_88 = arith.index_cast %mul3A_87 : i32 to index
      %swap3A_89 = tpu.vector_load %arg5[%swap3A, %swap3A_88] {strides = array<i32>} : memref<5x128xi32, #tpu.memory_space<vmem>>, vector<1x16xi32>,
      %swap3A_90 = vector.shape_cast %swap3A_89 : vector<1x16xi32> to vector<16xi32>
      %swap3A_91 = vector.shape_cast %add3A_85 : vector<16xi32> to vector<1x16xi32>
      tpu.vector_store %arg5[%swap3A, %swap3A_88], %swap3A_91 {strides = array<i32>} : memref<5x128xi32, #tpu.memory_space<vmem>>, vector<1x16xi32>,
      %scan3A_92 = arith.constant 0 : i32
      scf.yield %scan3A_92 : i32
    }
    %scan3A_8 = arith.constant 40 : i32
    %broadcast_in_dim3A = arith.constant 0.000000e+00 : f32
    %broadcast_in_dim3A_9 = vector.broadcast %broadcast_in_dim3A : f32 to vector<16xf32>
    %scan3A_10 = arith.constant 0 : i32
    %scan3A_11 = arith.constant 0 : i32
    %scan3A_12 = arith.constant 128 : i32
    %scan3A_13 = arith.addi %scan3A_11, %scan3A_12 : i32
    %scan3A_14 = arith.constant 1 : i32
    %scan3A_15 = scf.for %scan3A_48 = %scan3A_11 to %scan3A_13 step %scan3A_14 iter_args(%scan3A_49 = %scan3A_10) -> (i32)  : i32 {
      %jit3A = arith.constant 1 : i32
      %div3A = arith.divsi %scan3A_48, %jit3A : i32
      %sign3A = arith.constant 0 : i32
      %sign3A_50 = arith.cmpi sgt, %scan3A_48, %sign3A : i32
      %sign3A_51 = arith.extui %sign3A_50 : i1 to i32
      %sign3A_52 = arith.constant 0 : i32
      %sign3A_53 = arith.cmpi slt, %scan3A_48, %sign3A_52 : i32
      %sign3A_54 = arith.extui %sign3A_53 : i1 to i32
      %sign3A_55 = arith.subi %sign3A_51, %sign3A_54 : i32
      %sign3A_56 = arith.constant 0 : i32
      %sign3A_57 = arith.cmpi sgt, %jit3A, %sign3A_56 : i32
      %sign3A_58 = arith.extui %sign3A_57 : i1 to i32
      %sign3A_59 = arith.constant 0 : i32
      %sign3A_60 = arith.cmpi slt, %jit3A, %sign3A_59 : i32
      %sign3A_61 = arith.extui %sign3A_60 : i1 to i32
      %sign3A_62 = arith.subi %sign3A_58, %sign3A_61 : i32
      %ne3A = arith.cmpi ne, %sign3A_55, %sign3A_62 : i32
      %rem3A = arith.remsi %scan3A_48, %jit3A : i32
      %ne3A_63 = arith.constant 0 : i32
      %ne3A_64 = arith.cmpi ne, %rem3A, %ne3A_63 : i32
      %and3A = arith.andi %ne3A, %ne3A_64 : i1
      %sub3A = arith.constant 1 : i32
      %sub3A_65 = arith.subi %div3A, %sub3A : i32
      %select_n3A = arith.select %and3A, %sub3A_65, %div3A : i32
      %jit3A_66 = arith.constant 1 : i32
      %eq3A = arith.constant 0 : i32
      %eq3A_67 = arith.cmpi eq, %jit3A_66, %eq3A : i32
      %jit3A_68 = arith.constant 1 : i32
      %select_n3A_69 = arith.select %eq3A_67, %jit3A_68, %jit3A_66 : i32
      %rem3A_70 = arith.remsi %scan3A_48, %select_n3A_69 : i32
      %ne3A_71 = arith.constant 0 : i32
      %ne3A_72 = arith.cmpi ne, %rem3A_70, %ne3A_71 : i32
      %lt3A = arith.constant 0 : i32
      %lt3A_73 = arith.cmpi slt, %rem3A_70, %lt3A : i32
      %lt3A_74 = arith.constant 0 : i32
      %lt3A_75 = arith.cmpi slt, %select_n3A_69, %lt3A_74 : i32
      %ne3A_76 = arith.xori %lt3A_73, %lt3A_75 : i1
      %and3A_77 = arith.andi %ne3A_76, %ne3A_72 : i1
      %add3A_78 = arith.addi %rem3A_70, %select_n3A_69 : i32
      %select_n3A_79 = arith.select %and3A_77, %add3A_78, %rem3A_70 : i32
      %mul3A_80 = arith.constant 16 : i32
      %mul3A_81 = arith.muli %select_n3A_79, %mul3A_80 : i32
      %swap3A = arith.index_cast %select_n3A : i32 to index
      %swap3A_82 = arith.index_cast %mul3A_81 : i32 to index
      %swap3A_83 = tpu.vector_load %arg7[%swap3A, %swap3A_82] {strides = array<i32>} : memref<128x16xf32, #tpu.memory_space<vmem>>, vector<1x16xf32>,
      %swap3A_84 = vector.shape_cast %swap3A_83 : vector<1x16xf32> to vector<16xf32>
      %swap3A_85 = vector.shape_cast %broadcast_in_dim3A_9 : vector<16xf32> to vector<1x16xf32>
      tpu.vector_store %arg7[%swap3A, %swap3A_82], %swap3A_85 {strides = array<i32>} : memref<128x16xf32, #tpu.memory_space<vmem>>, vector<1x16xf32>,
      %scan3A_86 = arith.constant 0 : i32
      scf.yield %scan3A_86 : i32
    }
    %scan3A_16 = arith.constant 128 : i32
    %scan3A_17 = arith.constant 0 : i32
    %scan3A_18 = arith.constant 0 : i32
    %scan3A_19 = arith.constant 5 : i32
    %scan3A_20 = arith.addi %scan3A_18, %scan3A_19 : i32
    %scan3A_21 = arith.constant 1 : i32
    %scan3A_22 = scf.for %scan3A_48 = %scan3A_18 to %scan3A_20 step %scan3A_21 iter_args(%scan3A_49 = %scan3A_17) -> (i32)  : i32 {
      "tpu.region"() ({
        %run_scoped3A = tpu.sem_alloc : memref<!tpu.dma_semaphore, #tpu.memory_space<semaphore_mem>>
        %dma_start3A = arith.constant 0 : i32
        %dma_start3A_51 = tpu.memref_slice %arg5[%scan3A_48, %dma_start3A] : memref<5x128xi32, #tpu.memory_space<vmem>> -> memref<1x128xi32, #tpu.memory_space<vmem>>
        %dma_start3A_52 = tpu.memref_squeeze %dma_start3A_51 : memref<1x128xi32, #tpu.memory_space<vmem>> -> memref<128xi32, #tpu.memory_space<vmem>>
        %dma_start3A_53 = arith.constant 0 : i32
        %dma_start3A_54 = arith.constant 0 : i32
        %dma_start3A_55 = tpu.memref_slice %arg8[%dma_start3A_53, %dma_start3A_54] : memref<10240x16xf32, #tpu.memory_space<vmem_shared>> -> memref<10240x16xf32, #tpu.memory_space<vmem_shared>>
        tpu.enqueue_indirect_dma source(%arg7 : memref<128x16xf32, #tpu.memory_space<vmem>>) target(%dma_start3A_55 : memref<10240x16xf32, #tpu.memory_space<vmem_shared>>) offsets(%dma_start3A_52 : memref<128xi32, #tpu.memory_space<vmem>>) semaphore(%run_scoped3A : memref<!tpu.dma_semaphore, #tpu.memory_space<semaphore_mem>>)
        %dma_wait3A = arith.constant 0 : i32
        %dma_wait3A_56 = tpu.memref_slice %arg5[%scan3A_48, %dma_wait3A] : memref<5x128xi32, #tpu.memory_space<vmem>> -> memref<1x128xi32, #tpu.memory_space<vmem>>
        %dma_wait3A_57 = tpu.memref_squeeze %dma_wait3A_56 : memref<1x128xi32, #tpu.memory_space<vmem>> -> memref<128xi32, #tpu.memory_space<vmem>>
        %dma_wait3A_58 = arith.constant 0 : i32
        %dma_wait3A_59 = arith.constant 0 : i32
        %dma_wait3A_60 = tpu.memref_slice %arg8[%dma_wait3A_58, %dma_wait3A_59] : memref<10240x16xf32, #tpu.memory_space<vmem_shared>> -> memref<10240x16xf32, #tpu.memory_space<vmem_shared>>
        tpu.wait_indirect_dma semaphore(%run_scoped3A : memref<!tpu.dma_semaphore, #tpu.memory_space<semaphore_mem>>) src(%arg7 : memref<128x16xf32, #tpu.memory_space<vmem>>) dst(%dma_wait3A_60 : memref<10240x16xf32, #tpu.memory_space<vmem_shared>>)
        tpu.yield
      }) : () -> ()
      %scan3A_50 = arith.constant 0 : i32
      scf.yield %scan3A_50 : i32
    }
    %scan3A_23 = arith.constant 5 : i32
    %broadcast_in_dim3A_24 = arith.constant 1.000000e+00 : f32
    %broadcast_in_dim3A_25 = vector.broadcast %broadcast_in_dim3A_24 : f32 to vector<16xf32>
    %scan3A_26 = arith.constant 0 : i32
    %scan3A_27 = arith.constant 0 : i32
    %scan3A_28 = arith.constant 128 : i32
    %scan3A_29 = arith.addi %scan3A_27, %scan3A_28 : i32
    %scan3A_30 = arith.constant 1 : i32
    %scan3A_31 = scf.for %scan3A_48 = %scan3A_27 to %scan3A_29 step %scan3A_30 iter_args(%scan3A_49 = %scan3A_26) -> (i32)  : i32 {
      %swap3A = arith.index_cast %scan3A_48 : i32 to index
      %swap3A_50 = arith.constant 0 : index
      %swap3A_51 = tpu.vector_load %arg6[%swap3A, %swap3A_50] {strides = array<i32>} : memref<128x16xf32, #tpu.memory_space<vmem>>, vector<1x16xf32>,
      %swap3A_52 = vector.shape_cast %swap3A_51 : vector<1x16xf32> to vector<16xf32>
      %swap3A_53 = vector.shape_cast %broadcast_in_dim3A_25 : vector<16xf32> to vector<1x16xf32>
      tpu.vector_store %arg6[%swap3A, %swap3A_50], %swap3A_53 {strides = array<i32>} : memref<128x16xf32, #tpu.memory_space<vmem>>, vector<1x16xf32>,
      %scan3A_54 = arith.constant 0 : i32
      scf.yield %scan3A_54 : i32
    }
    %scan3A_32 = arith.constant 128 : i32
    %barrier3A = arith.constant 0 : index
    tpu.barrier barrier_id(%barrier3A)
    %scan3A_33 = arith.constant 0 : i32
    %scan3A_34 = arith.constant 0 : i32
    %scan3A_35 = arith.constant 80 : i32
    %scan3A_36 = arith.addi %scan3A_34, %scan3A_35 : i32
    %scan3A_37 = arith.constant 1 : i32
    %scan3A_38 = scf.for %scan3A_48 = %scan3A_34 to %scan3A_36 step %scan3A_37 iter_args(%scan3A_49 = %scan3A_33) -> (i32)  : i32 {
      "tpu.region"() ({
        %run_scoped3A = tpu.sem_alloc : memref<!tpu.dma_semaphore, #tpu.memory_space<semaphore_mem>>
        %dma_start3A = arith.constant 0 : i32
        %dma_start3A_51 = tpu.memref_slice %arg4[%scan3A_48, %dma_start3A] : memref<80x128xi32, #tpu.memory_space<vmem>> -> memref<1x128xi32, #tpu.memory_space<vmem>>
        %dma_start3A_52 = tpu.memref_squeeze %dma_start3A_51 : memref<1x128xi32, #tpu.memory_space<vmem>> -> memref<128xi32, #tpu.memory_space<vmem>>
        %dma_start3A_53 = arith.constant 0 : i32
        %dma_start3A_54 = arith.constant 0 : i32
        %dma_start3A_55 = tpu.memref_slice %arg8[%dma_start3A_53, %dma_start3A_54] : memref<10240x16xf32, #tpu.memory_space<vmem_shared>> -> memref<10240x16xf32, #tpu.memory_space<vmem_shared>>
        tpu.enqueue_indirect_dma source(%arg6 : memref<128x16xf32, #tpu.memory_space<vmem>>) target(%dma_start3A_55 : memref<10240x16xf32, #tpu.memory_space<vmem_shared>>) offsets(%dma_start3A_52 : memref<128xi32, #tpu.memory_space<vmem>>) semaphore(%run_scoped3A : memref<!tpu.dma_semaphore, #tpu.memory_space<semaphore_mem>>) {add = true}
        %dma_wait3A = arith.constant 0 : i32
        %dma_wait3A_56 = tpu.memref_slice %arg4[%scan3A_48, %dma_wait3A] : memref<80x128xi32, #tpu.memory_space<vmem>> -> memref<1x128xi32, #tpu.memory_space<vmem>>
        %dma_wait3A_57 = tpu.memref_squeeze %dma_wait3A_56 : memref<1x128xi32, #tpu.memory_space<vmem>> -> memref<128xi32, #tpu.memory_space<vmem>>
        %dma_wait3A_58 = arith.constant 0 : i32
        %dma_wait3A_59 = arith.constant 0 : i32
        %dma_wait3A_60 = tpu.memref_slice %arg8[%dma_wait3A_58, %dma_wait3A_59] : memref<10240x16xf32, #tpu.memory_space<vmem_shared>> -> memref<10240x16xf32, #tpu.memory_space<vmem_shared>>
        tpu.wait_indirect_dma semaphore(%run_scoped3A : memref<!tpu.dma_semaphore, #tpu.memory_space<semaphore_mem>>) src(%arg6 : memref<128x16xf32, #tpu.memory_space<vmem>>) dst(%dma_wait3A_60 : memref<10240x16xf32, #tpu.memory_space<vmem_shared>>)
        tpu.yield
      }) : () -> ()
      %scan3A_50 = arith.constant 0 : i32
      scf.yield %scan3A_50 : i32
    }
    %scan3A_39 = arith.constant 80 : i32
    %barrier3A_40 = arith.constant 0 : index
    tpu.barrier barrier_id(%barrier3A_40)
    %scan3A_41 = arith.constant 0 : i32
    %scan3A_42 = arith.constant 0 : i32
    %scan3A_43 = arith.constant 5 : i32
    %scan3A_44 = arith.addi %scan3A_42, %scan3A_43 : i32
    %scan3A_45 = arith.constant 1 : i32
    %scan3A_46 = scf.for %scan3A_48 = %scan3A_42 to %scan3A_44 step %scan3A_45 iter_args(%scan3A_49 = %scan3A_41) -> (i32)  : i32 {
      %dma_start3A = arith.constant 0 : i32
      %dma_start3A_50 = tpu.memref_slice %arg5[%scan3A_48, %dma_start3A] : memref<5x128xi32, #tpu.memory_space<vmem>> -> memref<1x128xi32, #tpu.memory_space<vmem>>
      %dma_start3A_51 = tpu.memref_squeeze %dma_start3A_50 : memref<1x128xi32, #tpu.memory_space<vmem>> -> memref<128xi32, #tpu.memory_space<vmem>>
      %dma_start3A_52 = arith.constant 0 : i32
      %dma_start3A_53 = arith.constant 0 : i32
      %dma_start3A_54 = tpu.memref_slice %arg8[%dma_start3A_52, %dma_start3A_53] : memref<10240x16xf32, #tpu.memory_space<vmem_shared>> -> memref<10240x16xf32, #tpu.memory_space<vmem_shared>>
      tpu.enqueue_indirect_dma source(%dma_start3A_54 : memref<10240x16xf32, #tpu.memory_space<vmem_shared>>) target(%arg7 : memref<128x16xf32, #tpu.memory_space<vmem>>) offsets(%dma_start3A_51 : memref<128xi32, #tpu.memory_space<vmem>>) semaphore(%arg9 : memref<!tpu.dma_semaphore, #tpu.memory_space<semaphore_mem>>)
      %dma_wait3A = arith.constant 0 : i32
      %dma_wait3A_55 = tpu.memref_slice %arg5[%scan3A_48, %dma_wait3A] : memref<5x128xi32, #tpu.memory_space<vmem>> -> memref<1x128xi32, #tpu.memory_space<vmem>>
      %dma_wait3A_56 = tpu.memref_squeeze %dma_wait3A_55 : memref<1x128xi32, #tpu.memory_space<vmem>> -> memref<128xi32, #tpu.memory_space<vmem>>
      %dma_wait3A_57 = arith.constant 0 : i32
      %dma_wait3A_58 = arith.constant 0 : i32
      %dma_wait3A_59 = tpu.memref_slice %arg8[%dma_wait3A_57, %dma_wait3A_58] : memref<10240x16xf32, #tpu.memory_space<vmem_shared>> -> memref<10240x16xf32, #tpu.memory_space<vmem_shared>>
      tpu.wait_indirect_dma semaphore(%arg9 : memref<!tpu.dma_semaphore, #tpu.memory_space<semaphore_mem>>) src(%dma_wait3A_59 : memref<10240x16xf32, #tpu.memory_space<vmem_shared>>) dst(%arg7 : memref<128x16xf32, #tpu.memory_space<vmem>>)
      %mul3A_60 = arith.constant 640 : i32
      %mul3A_61 = arith.muli %arg1, %mul3A_60 : i32
      %mul3A_62 = arith.constant 128 : i32
      %mul3A_63 = arith.muli %scan3A_48, %mul3A_62 : i32
      %add3A_64 = arith.addi %mul3A_61, %mul3A_63 : i32
      "tpu.region"() ({
        %run_scoped3A = tpu.sem_alloc : memref<!tpu.dma_semaphore, #tpu.memory_space<semaphore_mem>>
        %dma_start3A_66 = arith.constant 0 : i32
        %dma_start3A_67 = tpu.memref_slice %arg3[%arg0, %add3A_64, %dma_start3A_66] : memref<2x10240x16xf32, #tpu.memory_space<hbm>> -> memref<1x128x16xf32, #tpu.memory_space<hbm>>
        %dma_start3A_68 = tpu.memref_squeeze %dma_start3A_67 : memref<1x128x16xf32, #tpu.memory_space<hbm>> -> memref<128x16xf32, #tpu.memory_space<hbm>>
        %dma_start3A_69 = arith.constant 0 : i32
        %dma_start3A_70 = tpu.memref_slice %arg3[%arg0, %add3A_64, %dma_start3A_69] : memref<2x10240x16xf32, #tpu.memory_space<hbm>> -> memref<1x128x16xf32, #tpu.memory_space<hbm>>
        %dma_start3A_71 = tpu.memref_squeeze %dma_start3A_70 : memref<1x128x16xf32, #tpu.memory_space<hbm>> -> memref<128x16xf32, #tpu.memory_space<hbm>>
        tpu.enqueue_dma source(%arg7 : memref<128x16xf32, #tpu.memory_space<vmem>>) target(%dma_start3A_71 : memref<128x16xf32, #tpu.memory_space<hbm>>) target_semaphore(%run_scoped3A : memref<!tpu.dma_semaphore, #tpu.memory_space<semaphore_mem>>)
        %dma_wait3A_72 = arith.constant 0 : i32
        %dma_wait3A_73 = tpu.memref_slice %arg3[%arg0, %add3A_64, %dma_wait3A_72] : memref<2x10240x16xf32, #tpu.memory_space<hbm>> -> memref<1x128x16xf32, #tpu.memory_space<hbm>>
        %dma_wait3A_74 = tpu.memref_squeeze %dma_wait3A_73 : memref<1x128x16xf32, #tpu.memory_space<hbm>> -> memref<128x16xf32, #tpu.memory_space<hbm>>
        %dma_wait3A_75 = arith.constant 0 : i32
        %dma_wait3A_76 = tpu.memref_slice %arg3[%arg0, %add3A_64, %dma_wait3A_75] : memref<2x10240x16xf32, #tpu.memory_space<hbm>> -> memref<1x128x16xf32, #tpu.memory_space<hbm>>
        %dma_wait3A_77 = tpu.memref_squeeze %dma_wait3A_76 : memref<1x128x16xf32, #tpu.memory_space<hbm>> -> memref<128x16xf32, #tpu.memory_space<hbm>>
        tpu.wait_dma2 semaphore(%run_scoped3A : memref<!tpu.dma_semaphore, #tpu.memory_space<semaphore_mem>>) src(%arg7 : memref<128x16xf32, #tpu.memory_space<vmem>>) dst(%dma_wait3A_77 : memref<128x16xf32, #tpu.memory_space<hbm>>)
        tpu.yield
      }) : () -> ()
      %scan3A_65 = arith.constant 0 : i32
      scf.yield %scan3A_65 : i32
    }
    %scan3A_47 = arith.constant 5 : i32
    return
  }
}

#map = affine_map<(d0, d1) -> (0, 0, 0)>
#map1 = affine_map<(d0, d1) -> (0, 0)>
module attributes {stable_mosaic.version = 14 : i64} {
  func.func @scatter_kernel(%arg0: i32, %arg1: i32, %arg2: memref<32x80x128xi32, #tpu.memory_space<hbm>>, %arg3: memref<10240x16xf32, #tpu.memory_space<hbm>>, %arg4: memref<2x10240x16xf32, #tpu.memory_space<hbm>>, %arg5: memref<80x128xi32, #tpu.memory_space<vmem>>, %arg6: memref<80x128xi32, #tpu.memory_space<vmem>>, %arg7: memref<80x128xi32, #tpu.memory_space<vmem>>, %arg8: memref<5x128xi32, #tpu.memory_space<vmem>>, %arg9: memref<128x16xf32, #tpu.memory_space<vmem>>, %arg10: memref<128x16xf32, #tpu.memory_space<vmem>>, %arg11: memref<10240x16xf32, #tpu.memory_space<vmem_shared>>, %arg12: memref<!tpu.dma_semaphore, #tpu.memory_space<semaphore_mem>>) attributes {dimension_semantics = [#tpu.dimension_semantics<core_parallel>, #tpu.dimension_semantics<subcore_parallel>], iteration_bounds = array<i64: 2, 16>, scalar_prefetch = 0 : i64, scratch_operands = 8 : i64, tpu.core_type = #tpu.core_type<sc_vector_subcore>, window_params = [{transform_indices = #map}, {transform_indices = #map1}, {transform_indices = #map}]} {
    %mul3A = arith.constant 2 : i32
    %mul3A_0 = arith.muli %arg1, %mul3A : i32
    %add3A = arith.addi %mul3A_0, %arg0 : i32
    "tpu.region"() ({
      %run_scoped3A = tpu.sem_alloc : memref<!tpu.dma_semaphore, #tpu.memory_space<semaphore_mem>>
      %dma_start3A = arith.constant 0 : i32
      %dma_start3A_46 = arith.constant 0 : i32
      %dma_start3A_47 = tpu.memref_slice %arg2[%add3A, %dma_start3A, %dma_start3A_46] : memref<32x80x128xi32, #tpu.memory_space<hbm>> -> memref<1x80x128xi32, #tpu.memory_space<hbm>>
      %dma_start3A_48 = tpu.memref_squeeze %dma_start3A_47 : memref<1x80x128xi32, #tpu.memory_space<hbm>> -> memref<80x128xi32, #tpu.memory_space<hbm>>
      %dma_start3A_49 = arith.constant 0 : i32
      %dma_start3A_50 = arith.constant 0 : i32
      %dma_start3A_51 = tpu.memref_slice %arg2[%add3A, %dma_start3A_49, %dma_start3A_50] : memref<32x80x128xi32, #tpu.memory_space<hbm>> -> memref<1x80x128xi32, #tpu.memory_space<hbm>>
      %dma_start3A_52 = tpu.memref_squeeze %dma_start3A_51 : memref<1x80x128xi32, #tpu.memory_space<hbm>> -> memref<80x128xi32, #tpu.memory_space<hbm>>
      tpu.enqueue_dma source(%dma_start3A_52 : memref<80x128xi32, #tpu.memory_space<hbm>>) target(%arg5 : memref<80x128xi32, #tpu.memory_space<vmem>>) target_semaphore(%run_scoped3A : memref<!tpu.dma_semaphore, #tpu.memory_space<semaphore_mem>>)
      %dma_wait3A = arith.constant 0 : i32
      %dma_wait3A_53 = arith.constant 0 : i32
      %dma_wait3A_54 = tpu.memref_slice %arg2[%add3A, %dma_wait3A, %dma_wait3A_53] : memref<32x80x128xi32, #tpu.memory_space<hbm>> -> memref<1x80x128xi32, #tpu.memory_space<hbm>>
      %dma_wait3A_55 = tpu.memref_squeeze %dma_wait3A_54 : memref<1x80x128xi32, #tpu.memory_space<hbm>> -> memref<80x128xi32, #tpu.memory_space<hbm>>
      %dma_wait3A_56 = arith.constant 0 : i32
      %dma_wait3A_57 = arith.constant 0 : i32
      %dma_wait3A_58 = tpu.memref_slice %arg2[%add3A, %dma_wait3A_56, %dma_wait3A_57] : memref<32x80x128xi32, #tpu.memory_space<hbm>> -> memref<1x80x128xi32, #tpu.memory_space<hbm>>
      %dma_wait3A_59 = tpu.memref_squeeze %dma_wait3A_58 : memref<1x80x128xi32, #tpu.memory_space<hbm>> -> memref<80x128xi32, #tpu.memory_space<hbm>>
      tpu.wait_dma2 semaphore(%run_scoped3A : memref<!tpu.dma_semaphore, #tpu.memory_space<semaphore_mem>>) src(%dma_wait3A_59 : memref<80x128xi32, #tpu.memory_space<hbm>>) dst(%arg5 : memref<80x128xi32, #tpu.memory_space<vmem>>)
      tpu.yield
    }) : () -> ()
    %mul3A_1 = arith.constant 640 : i32
    %mul3A_2 = arith.muli %arg1, %mul3A_1 : i32
    %iota3A = tpu.iota {dimensions = array<i32: 0>} : vector<16xi32>
    %scan3A = arith.constant 0 : i32
    %scan3A_3 = arith.constant 0 : i32
    %scan3A_4 = arith.constant 40 : i32
    %scan3A_5 = arith.addi %scan3A_3, %scan3A_4 : i32
    %scan3A_6 = arith.constant 1 : i32
    %scan3A_7 = scf.for %scan3A_46 = %scan3A_3 to %scan3A_5 step %scan3A_6 iter_args(%scan3A_47 = %scan3A) -> (i32)  : i32 {
      %jit3A = arith.constant 8 : i32
      %div3A = arith.divsi %scan3A_46, %jit3A : i32
      %sign3A = arith.constant 0 : i32
      %sign3A_48 = arith.cmpi sgt, %scan3A_46, %sign3A : i32
      %sign3A_49 = arith.extui %sign3A_48 : i1 to i32
      %sign3A_50 = arith.constant 0 : i32
      %sign3A_51 = arith.cmpi slt, %scan3A_46, %sign3A_50 : i32
      %sign3A_52 = arith.extui %sign3A_51 : i1 to i32
      %sign3A_53 = arith.subi %sign3A_49, %sign3A_52 : i32
      %sign3A_54 = arith.constant 0 : i32
      %sign3A_55 = arith.cmpi sgt, %jit3A, %sign3A_54 : i32
      %sign3A_56 = arith.extui %sign3A_55 : i1 to i32
      %sign3A_57 = arith.constant 0 : i32
      %sign3A_58 = arith.cmpi slt, %jit3A, %sign3A_57 : i32
      %sign3A_59 = arith.extui %sign3A_58 : i1 to i32
      %sign3A_60 = arith.subi %sign3A_56, %sign3A_59 : i32
      %ne3A = arith.cmpi ne, %sign3A_53, %sign3A_60 : i32
      %rem3A = arith.remsi %scan3A_46, %jit3A : i32
      %ne3A_61 = arith.constant 0 : i32
      %ne3A_62 = arith.cmpi ne, %rem3A, %ne3A_61 : i32
      %and3A = arith.andi %ne3A, %ne3A_62 : i1
      %sub3A = arith.constant 1 : i32
      %sub3A_63 = arith.subi %div3A, %sub3A : i32
      %select_n3A = arith.select %and3A, %sub3A_63, %div3A : i32
      %jit3A_64 = arith.constant 8 : i32
      %eq3A = arith.constant 0 : i32
      %eq3A_65 = arith.cmpi eq, %jit3A_64, %eq3A : i32
      %jit3A_66 = arith.constant 1 : i32
      %select_n3A_67 = arith.select %eq3A_65, %jit3A_66, %jit3A_64 : i32
      %rem3A_68 = arith.remsi %scan3A_46, %select_n3A_67 : i32
      %ne3A_69 = arith.constant 0 : i32
      %ne3A_70 = arith.cmpi ne, %rem3A_68, %ne3A_69 : i32
      %lt3A = arith.constant 0 : i32
      %lt3A_71 = arith.cmpi slt, %rem3A_68, %lt3A : i32
      %lt3A_72 = arith.constant 0 : i32
      %lt3A_73 = arith.cmpi slt, %select_n3A_67, %lt3A_72 : i32
      %ne3A_74 = arith.xori %lt3A_71, %lt3A_73 : i1
      %and3A_75 = arith.andi %ne3A_74, %ne3A_70 : i1
      %add3A_76 = arith.addi %rem3A_68, %select_n3A_67 : i32
      %select_n3A_77 = arith.select %and3A_75, %add3A_76, %rem3A_68 : i32
      %mul3A_78 = arith.constant 16 : i32
      %mul3A_79 = arith.muli %scan3A_46, %mul3A_78 : i32
      %add3A_80 = vector.broadcast %mul3A_79 : i32 to vector<16xi32>
      %add3A_81 = arith.addi %iota3A, %add3A_80 : vector<16xi32>
      %add3A_82 = vector.broadcast %mul3A_2 : i32 to vector<16xi32>
      %add3A_83 = arith.addi %add3A_81, %add3A_82 : vector<16xi32>
      %mul3A_84 = arith.constant 16 : i32
      %mul3A_85 = arith.muli %select_n3A_77, %mul3A_84 : i32
      %swap3A = arith.index_cast %select_n3A : i32 to index
      %swap3A_86 = arith.index_cast %mul3A_85 : i32 to index
      %swap3A_87 = tpu.vector_load %arg8[%swap3A, %swap3A_86] {strides = array<i32>} : memref<5x128xi32, #tpu.memory_space<vmem>>, vector<1x16xi32>,
      %swap3A_88 = vector.shape_cast %swap3A_87 : vector<1x16xi32> to vector<16xi32>
      %swap3A_89 = vector.shape_cast %add3A_83 : vector<16xi32> to vector<1x16xi32>
      tpu.vector_store %arg8[%swap3A, %swap3A_86], %swap3A_89 {strides = array<i32>} : memref<5x128xi32, #tpu.memory_space<vmem>>, vector<1x16xi32>,
      %scan3A_90 = arith.constant 0 : i32
      scf.yield %scan3A_90 : i32
    }
    %scan3A_8 = arith.constant 40 : i32
    %broadcast_in_dim3A = arith.constant 0.000000e+00 : f32
    %broadcast_in_dim3A_9 = vector.broadcast %broadcast_in_dim3A : f32 to vector<16xf32>
    %scan3A_10 = arith.constant 0 : i32
    %scan3A_11 = arith.constant 0 : i32
    %scan3A_12 = arith.constant 128 : i32
    %scan3A_13 = arith.addi %scan3A_11, %scan3A_12 : i32
    %scan3A_14 = arith.constant 1 : i32
    %scan3A_15 = scf.for %scan3A_46 = %scan3A_11 to %scan3A_13 step %scan3A_14 iter_args(%scan3A_47 = %scan3A_10) -> (i32)  : i32 {
      %jit3A = arith.constant 1 : i32
      %div3A = arith.divsi %scan3A_46, %jit3A : i32
      %sign3A = arith.constant 0 : i32
      %sign3A_48 = arith.cmpi sgt, %scan3A_46, %sign3A : i32
      %sign3A_49 = arith.extui %sign3A_48 : i1 to i32
      %sign3A_50 = arith.constant 0 : i32
      %sign3A_51 = arith.cmpi slt, %scan3A_46, %sign3A_50 : i32
      %sign3A_52 = arith.extui %sign3A_51 : i1 to i32
      %sign3A_53 = arith.subi %sign3A_49, %sign3A_52 : i32
      %sign3A_54 = arith.constant 0 : i32
      %sign3A_55 = arith.cmpi sgt, %jit3A, %sign3A_54 : i32
      %sign3A_56 = arith.extui %sign3A_55 : i1 to i32
      %sign3A_57 = arith.constant 0 : i32
      %sign3A_58 = arith.cmpi slt, %jit3A, %sign3A_57 : i32
      %sign3A_59 = arith.extui %sign3A_58 : i1 to i32
      %sign3A_60 = arith.subi %sign3A_56, %sign3A_59 : i32
      %ne3A = arith.cmpi ne, %sign3A_53, %sign3A_60 : i32
      %rem3A = arith.remsi %scan3A_46, %jit3A : i32
      %ne3A_61 = arith.constant 0 : i32
      %ne3A_62 = arith.cmpi ne, %rem3A, %ne3A_61 : i32
      %and3A = arith.andi %ne3A, %ne3A_62 : i1
      %sub3A = arith.constant 1 : i32
      %sub3A_63 = arith.subi %div3A, %sub3A : i32
      %select_n3A = arith.select %and3A, %sub3A_63, %div3A : i32
      %jit3A_64 = arith.constant 1 : i32
      %eq3A = arith.constant 0 : i32
      %eq3A_65 = arith.cmpi eq, %jit3A_64, %eq3A : i32
      %jit3A_66 = arith.constant 1 : i32
      %select_n3A_67 = arith.select %eq3A_65, %jit3A_66, %jit3A_64 : i32
      %rem3A_68 = arith.remsi %scan3A_46, %select_n3A_67 : i32
      %ne3A_69 = arith.constant 0 : i32
      %ne3A_70 = arith.cmpi ne, %rem3A_68, %ne3A_69 : i32
      %lt3A = arith.constant 0 : i32
      %lt3A_71 = arith.cmpi slt, %rem3A_68, %lt3A : i32
      %lt3A_72 = arith.constant 0 : i32
      %lt3A_73 = arith.cmpi slt, %select_n3A_67, %lt3A_72 : i32
      %ne3A_74 = arith.xori %lt3A_71, %lt3A_73 : i1
      %and3A_75 = arith.andi %ne3A_74, %ne3A_70 : i1
      %add3A_76 = arith.addi %rem3A_68, %select_n3A_67 : i32
      %select_n3A_77 = arith.select %and3A_75, %add3A_76, %rem3A_68 : i32
      %mul3A_78 = arith.constant 16 : i32
      %mul3A_79 = arith.muli %select_n3A_77, %mul3A_78 : i32
      %swap3A = arith.index_cast %select_n3A : i32 to index
      %swap3A_80 = arith.index_cast %mul3A_79 : i32 to index
      %swap3A_81 = tpu.vector_load %arg10[%swap3A, %swap3A_80] {strides = array<i32>} : memref<128x16xf32, #tpu.memory_space<vmem>>, vector<1x16xf32>,
      %swap3A_82 = vector.shape_cast %swap3A_81 : vector<1x16xf32> to vector<16xf32>
      %swap3A_83 = vector.shape_cast %broadcast_in_dim3A_9 : vector<16xf32> to vector<1x16xf32>
      tpu.vector_store %arg10[%swap3A, %swap3A_80], %swap3A_83 {strides = array<i32>} : memref<128x16xf32, #tpu.memory_space<vmem>>, vector<1x16xf32>,
      %scan3A_84 = arith.constant 0 : i32
      scf.yield %scan3A_84 : i32
    }
    %scan3A_16 = arith.constant 128 : i32
    %scan3A_17 = arith.constant 0 : i32
    %scan3A_18 = arith.constant 0 : i32
    %scan3A_19 = arith.constant 640 : i32
    %scan3A_20 = arith.addi %scan3A_18, %scan3A_19 : i32
    %scan3A_21 = arith.constant 1 : i32
    %scan3A_22 = scf.for %scan3A_46 = %scan3A_18 to %scan3A_20 step %scan3A_21 iter_args(%scan3A_47 = %scan3A_17) -> (i32)  : i32 {
      %jit3A = arith.constant 8 : i32
      %div3A = arith.divsi %scan3A_46, %jit3A : i32
      %sign3A = arith.constant 0 : i32
      %sign3A_48 = arith.cmpi sgt, %scan3A_46, %sign3A : i32
      %sign3A_49 = arith.extui %sign3A_48 : i1 to i32
      %sign3A_50 = arith.constant 0 : i32
      %sign3A_51 = arith.cmpi slt, %scan3A_46, %sign3A_50 : i32
      %sign3A_52 = arith.extui %sign3A_51 : i1 to i32
      %sign3A_53 = arith.subi %sign3A_49, %sign3A_52 : i32
      %sign3A_54 = arith.constant 0 : i32
      %sign3A_55 = arith.cmpi sgt, %jit3A, %sign3A_54 : i32
      %sign3A_56 = arith.extui %sign3A_55 : i1 to i32
      %sign3A_57 = arith.constant 0 : i32
      %sign3A_58 = arith.cmpi slt, %jit3A, %sign3A_57 : i32
      %sign3A_59 = arith.extui %sign3A_58 : i1 to i32
      %sign3A_60 = arith.subi %sign3A_56, %sign3A_59 : i32
      %ne3A = arith.cmpi ne, %sign3A_53, %sign3A_60 : i32
      %rem3A = arith.remsi %scan3A_46, %jit3A : i32
      %ne3A_61 = arith.constant 0 : i32
      %ne3A_62 = arith.cmpi ne, %rem3A, %ne3A_61 : i32
      %and3A = arith.andi %ne3A, %ne3A_62 : i1
      %sub3A = arith.constant 1 : i32
      %sub3A_63 = arith.subi %div3A, %sub3A : i32
      %select_n3A = arith.select %and3A, %sub3A_63, %div3A : i32
      %jit3A_64 = arith.constant 8 : i32
      %eq3A = arith.constant 0 : i32
      %eq3A_65 = arith.cmpi eq, %jit3A_64, %eq3A : i32
      %jit3A_66 = arith.constant 1 : i32
      %select_n3A_67 = arith.select %eq3A_65, %jit3A_66, %jit3A_64 : i32
      %rem3A_68 = arith.remsi %scan3A_46, %select_n3A_67 : i32
      %ne3A_69 = arith.constant 0 : i32
      %ne3A_70 = arith.cmpi ne, %rem3A_68, %ne3A_69 : i32
      %lt3A = arith.constant 0 : i32
      %lt3A_71 = arith.cmpi slt, %rem3A_68, %lt3A : i32
      %lt3A_72 = arith.constant 0 : i32
      %lt3A_73 = arith.cmpi slt, %select_n3A_67, %lt3A_72 : i32
      %ne3A_74 = arith.xori %lt3A_71, %lt3A_73 : i1
      %and3A_75 = arith.andi %ne3A_74, %ne3A_70 : i1
      %add3A_76 = arith.addi %rem3A_68, %select_n3A_67 : i32
      %select_n3A_77 = arith.select %and3A_75, %add3A_76, %rem3A_68 : i32
      %mul3A_78 = arith.constant 16 : i32
      %mul3A_79 = arith.muli %select_n3A_77, %mul3A_78 : i32
      %get3A = arith.index_cast %select_n3A : i32 to index
      %get3A_80 = arith.index_cast %mul3A_79 : i32 to index
      %get3A_81 = tpu.vector_load %arg5[%get3A, %get3A_80] {strides = array<i32>} : memref<80x128xi32, #tpu.memory_space<vmem>>, vector<1x16xi32>,
      %get3A_82 = vector.shape_cast %get3A_81 : vector<1x16xi32> to vector<16xi32>
      %shift_right_logical3A = arith.constant 14 : i32
      %shift_right_logical3A_83 = vector.broadcast %shift_right_logical3A : i32 to vector<16xi32>
      %shift_right_logical3A_84 = arith.shrui %get3A_82, %shift_right_logical3A_83 : vector<16xi32>
      %mul3A_85 = arith.constant 16 : i32
      %mul3A_86 = arith.muli %select_n3A_77, %mul3A_85 : i32
      %swap3A = arith.index_cast %select_n3A : i32 to index
      %swap3A_87 = arith.index_cast %mul3A_86 : i32 to index
      %swap3A_88 = tpu.vector_load %arg6[%swap3A, %swap3A_87] {strides = array<i32>} : memref<80x128xi32, #tpu.memory_space<vmem>>, vector<1x16xi32>,
      %swap3A_89 = vector.shape_cast %swap3A_88 : vector<1x16xi32> to vector<16xi32>
      %swap3A_90 = vector.shape_cast %shift_right_logical3A_84 : vector<16xi32> to vector<1x16xi32>
      tpu.vector_store %arg6[%swap3A, %swap3A_87], %swap3A_90 {strides = array<i32>} : memref<80x128xi32, #tpu.memory_space<vmem>>, vector<1x16xi32>,
      %and3A_91 = arith.constant 16383 : i32
      %and3A_92 = vector.broadcast %and3A_91 : i32 to vector<16xi32>
      %and3A_93 = arith.andi %get3A_82, %and3A_92 : vector<16xi32>
      %mul3A_94 = arith.constant 16 : i32
      %mul3A_95 = arith.muli %select_n3A_77, %mul3A_94 : i32
      %swap3A_96 = arith.index_cast %select_n3A : i32 to index
      %swap3A_97 = arith.index_cast %mul3A_95 : i32 to index
      %swap3A_98 = tpu.vector_load %arg7[%swap3A_96, %swap3A_97] {strides = array<i32>} : memref<80x128xi32, #tpu.memory_space<vmem>>, vector<1x16xi32>,
      %swap3A_99 = vector.shape_cast %swap3A_98 : vector<1x16xi32> to vector<16xi32>
      %swap3A_100 = vector.shape_cast %and3A_93 : vector<16xi32> to vector<1x16xi32>
      tpu.vector_store %arg7[%swap3A_96, %swap3A_97], %swap3A_100 {strides = array<i32>} : memref<80x128xi32, #tpu.memory_space<vmem>>, vector<1x16xi32>,
      %scan3A_101 = arith.constant 0 : i32
      scf.yield %scan3A_101 : i32
    }
    %scan3A_23 = arith.constant 640 : i32
    %scan3A_24 = arith.constant 0 : i32
    %scan3A_25 = arith.constant 0 : i32
    %scan3A_26 = arith.constant 5 : i32
    %scan3A_27 = arith.addi %scan3A_25, %scan3A_26 : i32
    %scan3A_28 = arith.constant 1 : i32
    %scan3A_29 = scf.for %scan3A_46 = %scan3A_25 to %scan3A_27 step %scan3A_28 iter_args(%scan3A_47 = %scan3A_24) -> (i32)  : i32 {
      "tpu.region"() ({
        %run_scoped3A = tpu.sem_alloc : memref<!tpu.dma_semaphore, #tpu.memory_space<semaphore_mem>>
        %dma_start3A = arith.constant 0 : i32
        %dma_start3A_49 = tpu.memref_slice %arg8[%scan3A_46, %dma_start3A] : memref<5x128xi32, #tpu.memory_space<vmem>> -> memref<1x128xi32, #tpu.memory_space<vmem>>
        %dma_start3A_50 = tpu.memref_squeeze %dma_start3A_49 : memref<1x128xi32, #tpu.memory_space<vmem>> -> memref<128xi32, #tpu.memory_space<vmem>>
        %dma_start3A_51 = arith.constant 0 : i32
        %dma_start3A_52 = arith.constant 0 : i32
        %dma_start3A_53 = tpu.memref_slice %arg11[%dma_start3A_51, %dma_start3A_52] : memref<10240x16xf32, #tpu.memory_space<vmem_shared>> -> memref<10240x16xf32, #tpu.memory_space<vmem_shared>>
        tpu.enqueue_indirect_dma source(%arg10 : memref<128x16xf32, #tpu.memory_space<vmem>>) target(%dma_start3A_53 : memref<10240x16xf32, #tpu.memory_space<vmem_shared>>) offsets(%dma_start3A_50 : memref<128xi32, #tpu.memory_space<vmem>>) semaphore(%run_scoped3A : memref<!tpu.dma_semaphore, #tpu.memory_space<semaphore_mem>>)
        %dma_wait3A = arith.constant 0 : i32
        %dma_wait3A_54 = tpu.memref_slice %arg8[%scan3A_46, %dma_wait3A] : memref<5x128xi32, #tpu.memory_space<vmem>> -> memref<1x128xi32, #tpu.memory_space<vmem>>
        %dma_wait3A_55 = tpu.memref_squeeze %dma_wait3A_54 : memref<1x128xi32, #tpu.memory_space<vmem>> -> memref<128xi32, #tpu.memory_space<vmem>>
        %dma_wait3A_56 = arith.constant 0 : i32
        %dma_wait3A_57 = arith.constant 0 : i32
        %dma_wait3A_58 = tpu.memref_slice %arg11[%dma_wait3A_56, %dma_wait3A_57] : memref<10240x16xf32, #tpu.memory_space<vmem_shared>> -> memref<10240x16xf32, #tpu.memory_space<vmem_shared>>
        tpu.wait_indirect_dma semaphore(%run_scoped3A : memref<!tpu.dma_semaphore, #tpu.memory_space<semaphore_mem>>) src(%arg10 : memref<128x16xf32, #tpu.memory_space<vmem>>) dst(%dma_wait3A_58 : memref<10240x16xf32, #tpu.memory_space<vmem_shared>>)
        tpu.yield
      }) : () -> ()
      %scan3A_48 = arith.constant 0 : i32
      scf.yield %scan3A_48 : i32
    }
    %scan3A_30 = arith.constant 5 : i32
    %barrier3A = arith.constant 0 : index
    tpu.barrier barrier_id(%barrier3A)
    %scan3A_31 = arith.constant 0 : i32
    %scan3A_32 = arith.constant 0 : i32
    %scan3A_33 = arith.constant 80 : i32
    %scan3A_34 = arith.addi %scan3A_32, %scan3A_33 : i32
    %scan3A_35 = arith.constant 1 : i32
    %scan3A_36 = scf.for %scan3A_46 = %scan3A_32 to %scan3A_34 step %scan3A_35 iter_args(%scan3A_47 = %scan3A_31) -> (i32)  : i32 {
      %dma_start3A = arith.constant 0 : i32
      %dma_start3A_48 = tpu.memref_slice %arg6[%scan3A_46, %dma_start3A] : memref<80x128xi32, #tpu.memory_space<vmem>> -> memref<1x128xi32, #tpu.memory_space<vmem>>
      %dma_start3A_49 = tpu.memref_squeeze %dma_start3A_48 : memref<1x128xi32, #tpu.memory_space<vmem>> -> memref<128xi32, #tpu.memory_space<vmem>>
      %dma_start3A_50 = arith.constant 0 : i32
      %dma_start3A_51 = arith.constant 0 : i32
      %dma_start3A_52 = tpu.memref_slice %arg3[%dma_start3A_50, %dma_start3A_51] : memref<10240x16xf32, #tpu.memory_space<hbm>> -> memref<10240x16xf32, #tpu.memory_space<hbm>>
      tpu.enqueue_indirect_dma source(%dma_start3A_52 : memref<10240x16xf32, #tpu.memory_space<hbm>>) target(%arg9 : memref<128x16xf32, #tpu.memory_space<vmem>>) offsets(%dma_start3A_49 : memref<128xi32, #tpu.memory_space<vmem>>) semaphore(%arg12 : memref<!tpu.dma_semaphore, #tpu.memory_space<semaphore_mem>>)
      %dma_wait3A = arith.constant 0 : i32
      %dma_wait3A_53 = tpu.memref_slice %arg6[%scan3A_46, %dma_wait3A] : memref<80x128xi32, #tpu.memory_space<vmem>> -> memref<1x128xi32, #tpu.memory_space<vmem>>
      %dma_wait3A_54 = tpu.memref_squeeze %dma_wait3A_53 : memref<1x128xi32, #tpu.memory_space<vmem>> -> memref<128xi32, #tpu.memory_space<vmem>>
      %dma_wait3A_55 = arith.constant 0 : i32
      %dma_wait3A_56 = arith.constant 0 : i32
      %dma_wait3A_57 = tpu.memref_slice %arg3[%dma_wait3A_55, %dma_wait3A_56] : memref<10240x16xf32, #tpu.memory_space<hbm>> -> memref<10240x16xf32, #tpu.memory_space<hbm>>
      tpu.wait_indirect_dma semaphore(%arg12 : memref<!tpu.dma_semaphore, #tpu.memory_space<semaphore_mem>>) src(%dma_wait3A_57 : memref<10240x16xf32, #tpu.memory_space<hbm>>) dst(%arg9 : memref<128x16xf32, #tpu.memory_space<vmem>>)
      "tpu.region"() ({
        %run_scoped3A = tpu.sem_alloc : memref<!tpu.dma_semaphore, #tpu.memory_space<semaphore_mem>>
        %dma_start3A_59 = arith.constant 0 : i32
        %dma_start3A_60 = tpu.memref_slice %arg7[%scan3A_46, %dma_start3A_59] : memref<80x128xi32, #tpu.memory_space<vmem>> -> memref<1x128xi32, #tpu.memory_space<vmem>>
        %dma_start3A_61 = tpu.memref_squeeze %dma_start3A_60 : memref<1x128xi32, #tpu.memory_space<vmem>> -> memref<128xi32, #tpu.memory_space<vmem>>
        %dma_start3A_62 = arith.constant 0 : i32
        %dma_start3A_63 = arith.constant 0 : i32
        %dma_start3A_64 = tpu.memref_slice %arg11[%dma_start3A_62, %dma_start3A_63] : memref<10240x16xf32, #tpu.memory_space<vmem_shared>> -> memref<10240x16xf32, #tpu.memory_space<vmem_shared>>
        tpu.enqueue_indirect_dma source(%arg9 : memref<128x16xf32, #tpu.memory_space<vmem>>) target(%dma_start3A_64 : memref<10240x16xf32, #tpu.memory_space<vmem_shared>>) offsets(%dma_start3A_61 : memref<128xi32, #tpu.memory_space<vmem>>) semaphore(%run_scoped3A : memref<!tpu.dma_semaphore, #tpu.memory_space<semaphore_mem>>) {add = true}
        %dma_wait3A_65 = arith.constant 0 : i32
        %dma_wait3A_66 = tpu.memref_slice %arg7[%scan3A_46, %dma_wait3A_65] : memref<80x128xi32, #tpu.memory_space<vmem>> -> memref<1x128xi32, #tpu.memory_space<vmem>>
        %dma_wait3A_67 = tpu.memref_squeeze %dma_wait3A_66 : memref<1x128xi32, #tpu.memory_space<vmem>> -> memref<128xi32, #tpu.memory_space<vmem>>
        %dma_wait3A_68 = arith.constant 0 : i32
        %dma_wait3A_69 = arith.constant 0 : i32
        %dma_wait3A_70 = tpu.memref_slice %arg11[%dma_wait3A_68, %dma_wait3A_69] : memref<10240x16xf32, #tpu.memory_space<vmem_shared>> -> memref<10240x16xf32, #tpu.memory_space<vmem_shared>>
        tpu.wait_indirect_dma semaphore(%run_scoped3A : memref<!tpu.dma_semaphore, #tpu.memory_space<semaphore_mem>>) src(%arg9 : memref<128x16xf32, #tpu.memory_space<vmem>>) dst(%dma_wait3A_70 : memref<10240x16xf32, #tpu.memory_space<vmem_shared>>)
        tpu.yield
      }) : () -> ()
      %scan3A_58 = arith.constant 0 : i32
      scf.yield %scan3A_58 : i32
    }
    %scan3A_37 = arith.constant 80 : i32
    %barrier3A_38 = arith.constant 0 : index
    tpu.barrier barrier_id(%barrier3A_38)
    %scan3A_39 = arith.constant 0 : i32
    %scan3A_40 = arith.constant 0 : i32
    %scan3A_41 = arith.constant 5 : i32
    %scan3A_42 = arith.addi %scan3A_40, %scan3A_41 : i32
    %scan3A_43 = arith.constant 1 : i32
    %scan3A_44 = scf.for %scan3A_46 = %scan3A_40 to %scan3A_42 step %scan3A_43 iter_args(%scan3A_47 = %scan3A_39) -> (i32)  : i32 {
      %dma_start3A = arith.constant 0 : i32
      %dma_start3A_48 = tpu.memref_slice %arg8[%scan3A_46, %dma_start3A] : memref<5x128xi32, #tpu.memory_space<vmem>> -> memref<1x128xi32, #tpu.memory_space<vmem>>
      %dma_start3A_49 = tpu.memref_squeeze %dma_start3A_48 : memref<1x128xi32, #tpu.memory_space<vmem>> -> memref<128xi32, #tpu.memory_space<vmem>>
      %dma_start3A_50 = arith.constant 0 : i32
      %dma_start3A_51 = arith.constant 0 : i32
      %dma_start3A_52 = tpu.memref_slice %arg11[%dma_start3A_50, %dma_start3A_51] : memref<10240x16xf32, #tpu.memory_space<vmem_shared>> -> memref<10240x16xf32, #tpu.memory_space<vmem_shared>>
      tpu.enqueue_indirect_dma source(%dma_start3A_52 : memref<10240x16xf32, #tpu.memory_space<vmem_shared>>) target(%arg10 : memref<128x16xf32, #tpu.memory_space<vmem>>) offsets(%dma_start3A_49 : memref<128xi32, #tpu.memory_space<vmem>>) semaphore(%arg12 : memref<!tpu.dma_semaphore, #tpu.memory_space<semaphore_mem>>)
      %dma_wait3A = arith.constant 0 : i32
      %dma_wait3A_53 = tpu.memref_slice %arg8[%scan3A_46, %dma_wait3A] : memref<5x128xi32, #tpu.memory_space<vmem>> -> memref<1x128xi32, #tpu.memory_space<vmem>>
      %dma_wait3A_54 = tpu.memref_squeeze %dma_wait3A_53 : memref<1x128xi32, #tpu.memory_space<vmem>> -> memref<128xi32, #tpu.memory_space<vmem>>
      %dma_wait3A_55 = arith.constant 0 : i32
      %dma_wait3A_56 = arith.constant 0 : i32
      %dma_wait3A_57 = tpu.memref_slice %arg11[%dma_wait3A_55, %dma_wait3A_56] : memref<10240x16xf32, #tpu.memory_space<vmem_shared>> -> memref<10240x16xf32, #tpu.memory_space<vmem_shared>>
      tpu.wait_indirect_dma semaphore(%arg12 : memref<!tpu.dma_semaphore, #tpu.memory_space<semaphore_mem>>) src(%dma_wait3A_57 : memref<10240x16xf32, #tpu.memory_space<vmem_shared>>) dst(%arg10 : memref<128x16xf32, #tpu.memory_space<vmem>>)
      %mul3A_58 = arith.constant 640 : i32
      %mul3A_59 = arith.muli %arg1, %mul3A_58 : i32
      %mul3A_60 = arith.constant 128 : i32
      %mul3A_61 = arith.muli %scan3A_46, %mul3A_60 : i32
      %add3A_62 = arith.addi %mul3A_59, %mul3A_61 : i32
      "tpu.region"() ({
        %run_scoped3A = tpu.sem_alloc : memref<!tpu.dma_semaphore, #tpu.memory_space<semaphore_mem>>
        %dma_start3A_64 = arith.constant 0 : i32
        %dma_start3A_65 = tpu.memref_slice %arg4[%arg0, %add3A_62, %dma_start3A_64] : memref<2x10240x16xf32, #tpu.memory_space<hbm>> -> memref<1x128x16xf32, #tpu.memory_space<hbm>>
        %dma_start3A_66 = tpu.memref_squeeze %dma_start3A_65 : memref<1x128x16xf32, #tpu.memory_space<hbm>> -> memref<128x16xf32, #tpu.memory_space<hbm>>
        %dma_start3A_67 = arith.constant 0 : i32
        %dma_start3A_68 = tpu.memref_slice %arg4[%arg0, %add3A_62, %dma_start3A_67] : memref<2x10240x16xf32, #tpu.memory_space<hbm>> -> memref<1x128x16xf32, #tpu.memory_space<hbm>>
        %dma_start3A_69 = tpu.memref_squeeze %dma_start3A_68 : memref<1x128x16xf32, #tpu.memory_space<hbm>> -> memref<128x16xf32, #tpu.memory_space<hbm>>
        tpu.enqueue_dma source(%arg10 : memref<128x16xf32, #tpu.memory_space<vmem>>) target(%dma_start3A_69 : memref<128x16xf32, #tpu.memory_space<hbm>>) target_semaphore(%run_scoped3A : memref<!tpu.dma_semaphore, #tpu.memory_space<semaphore_mem>>)
        %dma_wait3A_70 = arith.constant 0 : i32
        %dma_wait3A_71 = tpu.memref_slice %arg4[%arg0, %add3A_62, %dma_wait3A_70] : memref<2x10240x16xf32, #tpu.memory_space<hbm>> -> memref<1x128x16xf32, #tpu.memory_space<hbm>>
        %dma_wait3A_72 = tpu.memref_squeeze %dma_wait3A_71 : memref<1x128x16xf32, #tpu.memory_space<hbm>> -> memref<128x16xf32, #tpu.memory_space<hbm>>
        %dma_wait3A_73 = arith.constant 0 : i32
        %dma_wait3A_74 = tpu.memref_slice %arg4[%arg0, %add3A_62, %dma_wait3A_73] : memref<2x10240x16xf32, #tpu.memory_space<hbm>> -> memref<1x128x16xf32, #tpu.memory_space<hbm>>
        %dma_wait3A_75 = tpu.memref_squeeze %dma_wait3A_74 : memref<1x128x16xf32, #tpu.memory_space<hbm>> -> memref<128x16xf32, #tpu.memory_space<hbm>>
        tpu.wait_dma2 semaphore(%run_scoped3A : memref<!tpu.dma_semaphore, #tpu.memory_space<semaphore_mem>>) src(%arg10 : memref<128x16xf32, #tpu.memory_space<vmem>>) dst(%dma_wait3A_75 : memref<128x16xf32, #tpu.memory_space<hbm>>)
        tpu.yield
      }) : () -> ()
      %scan3A_63 = arith.constant 0 : i32
      scf.yield %scan3A_63 : i32
    }
    %scan3A_45 = arith.constant 5 : i32
    return
  }
}

module attributes {stable_mosaic.version = 14 : i64} {
  func.func @_y1_body(%arg0: i32, %arg1: memref<2048x128xf32, #tpu.memory_space<vmem>>, %arg2: memref<128x16xf32, #tpu.memory_space<vmem>>, %arg3: memref<2x2048x16xf32, #tpu.memory_space<vmem>>, %arg4: memref<2048x16xf32, #tpu.memory_space<vmem>>, %arg5: memref<2048x1xf32, #tpu.memory_space<vmem>>) attributes {dimension_semantics = [#tpu.dimension_semantics<arbitrary>], iteration_bounds = array<i64: 5>, scalar_prefetch = 0 : i64, scratch_operands = 0 : i64, tpu.core_type = #tpu.core_type<tc>, window_params = [{transform_indices = @transform_0, window_bounds = array<i64: 2048, 128>}, {pipeline_mode = #tpu.pipeline_mode<synchronous>, transform_indices = @transform_1, window_bounds = array<i64: 128, 16>}, {transform_indices = @transform_2, window_bounds = array<i64: 2, 2048, 16>}, {transform_indices = @transform_3, window_bounds = array<i64: 2048, 16>}, {transform_indices = @transform_4, window_bounds = array<i64: 2048, 1>}]} {
    %get3A = arith.constant 0 : index
    %get3A_0 = arith.constant 0 : index
    %get3A_1 = arith.constant 0 : index
    %get3A_2 = vector.load %arg3[%get3A, %get3A_0, %get3A_1] : memref<2x2048x16xf32, #tpu.memory_space<vmem>>, vector<1x2048x1xf32>
    %get3A_3 = vector.shape_cast %get3A_2 : vector<1x2048x1xf32> to vector<2048x1xf32>
    %get3A_4 = arith.constant 1 : index
    %get3A_5 = arith.constant 0 : index
    %get3A_6 = arith.constant 0 : index
    %get3A_7 = vector.load %arg3[%get3A_4, %get3A_5, %get3A_6] : memref<2x2048x16xf32, #tpu.memory_space<vmem>>, vector<1x2048x1xf32>
    %get3A_8 = vector.shape_cast %get3A_7 : vector<1x2048x1xf32> to vector<2048x1xf32>
    %add3A = arith.addf %get3A_3, %get3A_8 : vector<2048x1xf32>
    %add3A_9 = arith.constant 1.000000e+00 : f32
    %add3A_10 = vector.broadcast %add3A_9 : f32 to vector<2048x1xf32>
    %add3A_11 = arith.addf %add3A, %add3A_10 : vector<2048x1xf32>
    %rsqrt3A = math.rsqrt %add3A_11 : vector<2048x1xf32>
    %swap3A = arith.constant 0 : index
    %swap3A_12 = arith.constant 0 : index
    %swap3A_13 = vector.load %arg5[%swap3A, %swap3A_12] : memref<2048x1xf32, #tpu.memory_space<vmem>>, vector<2048x1xf32>
    tpu.vector_store %arg5[%swap3A, %swap3A_12], %rsqrt3A {strides = array<i32>} : memref<2048x1xf32, #tpu.memory_space<vmem>>, vector<2048x1xf32>,
    %get3A_14 = arith.constant 0 : index
    %get3A_15 = arith.constant 0 : index
    %get3A_16 = vector.load %arg1[%get3A_14, %get3A_15] : memref<2048x128xf32, #tpu.memory_space<vmem>>, vector<2048x128xf32>
    %get3A_17 = arith.constant 0 : index
    %get3A_18 = arith.constant 0 : index
    %get3A_19 = vector.load %arg2[%get3A_17, %get3A_18] : memref<128x16xf32, #tpu.memory_space<vmem>>, vector<128x16xf32>
    %dot_general3A = arith.constant dense<0.000000e+00> : vector<2048x16xf32>
    %dot_general3A_20 = tpu.matmul %get3A_16, %get3A_19, %dot_general3A {dimension_numbers = #tpu.dot_dimension_numbers<[1], [0], [0], [1], [0, 0, 1, 1], [], []>, transpose_lhs_hint = false} : vector<2048x128xf32>, vector<128x16xf32>, vector<2048x16xf32> -> vector<2048x16xf32>
    %mul3A = vector.broadcast %rsqrt3A : vector<2048x1xf32> to vector<2048x16xf32>
    %mul3A_21 = arith.mulf %dot_general3A_20, %mul3A : vector<2048x16xf32>
    %swap3A_22 = arith.constant 0 : index
    %swap3A_23 = arith.constant 0 : index
    %swap3A_24 = vector.load %arg4[%swap3A_22, %swap3A_23] : memref<2048x16xf32, #tpu.memory_space<vmem>>, vector<2048x16xf32>
    tpu.vector_store %arg4[%swap3A_22, %swap3A_23], %mul3A_21 {strides = array<i32>} : memref<2048x16xf32, #tpu.memory_space<vmem>>, vector<2048x16xf32>,
    return
  }
  func.func @transform_0(%arg0: i32) -> (i32, i32) {
    %c0_i32 = arith.constant 0 : i32
    %c0_i32_0 = arith.constant 0 : i32
    return %arg0, %c0_i32 : i32, i32
  }
  func.func @transform_1(%arg0: i32) -> (i32, i32) {
    %c0_i32 = arith.constant 0 : i32
    %c0_i32_0 = arith.constant 0 : i32
    %c0_i32_1 = arith.constant 0 : i32
    return %c0_i32, %c0_i32_0 : i32, i32
  }
  func.func @transform_2(%arg0: i32) -> (i32, i32, i32) {
    %c0_i32 = arith.constant 0 : i32
    %c0_i32_0 = arith.constant 0 : i32
    %c0_i32_1 = arith.constant 0 : i32
    return %c0_i32, %arg0, %c0_i32_0 : i32, i32, i32
  }
  func.func @transform_3(%arg0: i32) -> (i32, i32) {
    %c0_i32 = arith.constant 0 : i32
    %c0_i32_0 = arith.constant 0 : i32
    return %arg0, %c0_i32 : i32, i32
  }
  func.func @transform_4(%arg0: i32) -> (i32, i32) {
    %c0_i32 = arith.constant 0 : i32
    %c0_i32_0 = arith.constant 0 : i32
    return %arg0, %c0_i32 : i32, i32
  }
}

module attributes {stable_mosaic.version = 14 : i64} {
  func.func @_mid_body(%arg0: i32, %arg1: memref<2x2048x16xf32, #tpu.memory_space<vmem>>, %arg2: memref<2048x16xf32, #tpu.memory_space<vmem>>, %arg3: memref<2048x1xf32, #tpu.memory_space<vmem>>, %arg4: memref<1x16xf32, #tpu.memory_space<vmem>>, %arg5: memref<16x16xf32, #tpu.memory_space<vmem>>, %arg6: memref<2048x16xf32, #tpu.memory_space<vmem>>) attributes {dimension_semantics = [#tpu.dimension_semantics<arbitrary>], iteration_bounds = array<i64: 5>, scalar_prefetch = 0 : i64, scratch_operands = 0 : i64, tpu.core_type = #tpu.core_type<tc>, window_params = [{transform_indices = @transform_0, window_bounds = array<i64: 2, 2048, 16>}, {transform_indices = @transform_1, window_bounds = array<i64: 2048, 16>}, {transform_indices = @transform_2, window_bounds = array<i64: 2048, 1>}, {pipeline_mode = #tpu.pipeline_mode<synchronous>, transform_indices = @transform_3, window_bounds = array<i64: 1, 16>}, {pipeline_mode = #tpu.pipeline_mode<synchronous>, transform_indices = @transform_4, window_bounds = array<i64: 16, 16>}, {transform_indices = @transform_5, window_bounds = array<i64: 2048, 16>}]} {
    %get3A = arith.constant 0 : index
    %get3A_0 = arith.constant 0 : index
    %get3A_1 = arith.constant 0 : index
    %get3A_2 = vector.load %arg1[%get3A, %get3A_0, %get3A_1] : memref<2x2048x16xf32, #tpu.memory_space<vmem>>, vector<1x2048x16xf32>
    %get3A_3 = vector.shape_cast %get3A_2 : vector<1x2048x16xf32> to vector<2048x16xf32>
    %get3A_4 = arith.constant 1 : index
    %get3A_5 = arith.constant 0 : index
    %get3A_6 = arith.constant 0 : index
    %get3A_7 = vector.load %arg1[%get3A_4, %get3A_5, %get3A_6] : memref<2x2048x16xf32, #tpu.memory_space<vmem>>, vector<1x2048x16xf32>
    %get3A_8 = vector.shape_cast %get3A_7 : vector<1x2048x16xf32> to vector<2048x16xf32>
    %add3A = arith.addf %get3A_3, %get3A_8 : vector<2048x16xf32>
    %get3A_9 = arith.constant 0 : index
    %get3A_10 = arith.constant 0 : index
    %get3A_11 = vector.load %arg2[%get3A_9, %get3A_10] : memref<2048x16xf32, #tpu.memory_space<vmem>>, vector<2048x16xf32>
    %add3A_12 = arith.addf %add3A, %get3A_11 : vector<2048x16xf32>
    %get3A_13 = arith.constant 0 : index
    %get3A_14 = arith.constant 0 : index
    %get3A_15 = vector.load %arg3[%get3A_13, %get3A_14] : memref<2048x1xf32, #tpu.memory_space<vmem>>, vector<2048x1xf32>
    %mul3A = vector.broadcast %get3A_15 : vector<2048x1xf32> to vector<2048x16xf32>
    %mul3A_16 = arith.mulf %mul3A, %add3A_12 : vector<2048x16xf32>
    %get3A_17 = arith.constant 0 : index
    %get3A_18 = arith.constant 0 : index
    %get3A_19 = vector.load %arg4[%get3A_17, %get3A_18] : memref<1x16xf32, #tpu.memory_space<vmem>>, vector<1x16xf32>
    %add3A_20 = vector.broadcast %get3A_19 : vector<1x16xf32> to vector<2048x16xf32>
    %add3A_21 = arith.addf %mul3A_16, %add3A_20 : vector<2048x16xf32>
    %max3A = arith.constant 0.000000e+00 : f32
    %max3A_22 = vector.broadcast %max3A : f32 to vector<2048x16xf32>
    %max3A_23 = arith.maximumf %add3A_21, %max3A_22 : vector<2048x16xf32>
    %get3A_24 = arith.constant 0 : index
    %get3A_25 = arith.constant 0 : index
    %get3A_26 = vector.load %arg5[%get3A_24, %get3A_25] : memref<16x16xf32, #tpu.memory_space<vmem>>, vector<16x16xf32>
    %dot_general3A = arith.constant dense<0.000000e+00> : vector<2048x16xf32>
    %dot_general3A_27 = tpu.matmul %max3A_23, %get3A_26, %dot_general3A {dimension_numbers = #tpu.dot_dimension_numbers<[1], [0], [0], [1], [0, 0, 1, 1], [], []>, transpose_lhs_hint = false} : vector<2048x16xf32>, vector<16x16xf32>, vector<2048x16xf32> -> vector<2048x16xf32>
    %mul3A_28 = vector.broadcast %get3A_15 : vector<2048x1xf32> to vector<2048x16xf32>
    %mul3A_29 = arith.mulf %mul3A_28, %dot_general3A_27 : vector<2048x16xf32>
    %swap3A = arith.constant 0 : index
    %swap3A_30 = arith.constant 0 : index
    %swap3A_31 = vector.load %arg6[%swap3A, %swap3A_30] : memref<2048x16xf32, #tpu.memory_space<vmem>>, vector<2048x16xf32>
    tpu.vector_store %arg6[%swap3A, %swap3A_30], %mul3A_29 {strides = array<i32>} : memref<2048x16xf32, #tpu.memory_space<vmem>>, vector<2048x16xf32>,
    return
  }
  func.func @transform_0(%arg0: i32) -> (i32, i32, i32) {
    %c0_i32 = arith.constant 0 : i32
    %c0_i32_0 = arith.constant 0 : i32
    %c0_i32_1 = arith.constant 0 : i32
    return %c0_i32, %arg0, %c0_i32_0 : i32, i32, i32
  }
  func.func @transform_1(%arg0: i32) -> (i32, i32) {
    %c0_i32 = arith.constant 0 : i32
    %c0_i32_0 = arith.constant 0 : i32
    return %arg0, %c0_i32 : i32, i32
  }
  func.func @transform_2(%arg0: i32) -> (i32, i32) {
    %c0_i32 = arith.constant 0 : i32
    %c0_i32_0 = arith.constant 0 : i32
    return %arg0, %c0_i32 : i32, i32
  }
  func.func @transform_3(%arg0: i32) -> (i32, i32) {
    %c0_i32 = arith.constant 0 : i32
    %c0_i32_0 = arith.constant 0 : i32
    %c0_i32_1 = arith.constant 0 : i32
    return %c0_i32, %c0_i32_0 : i32, i32
  }
  func.func @transform_4(%arg0: i32) -> (i32, i32) {
    %c0_i32 = arith.constant 0 : i32
    %c0_i32_0 = arith.constant 0 : i32
    %c0_i32_1 = arith.constant 0 : i32
    return %c0_i32, %c0_i32_0 : i32, i32
  }
  func.func @transform_5(%arg0: i32) -> (i32, i32) {
    %c0_i32 = arith.constant 0 : i32
    %c0_i32_0 = arith.constant 0 : i32
    return %arg0, %c0_i32 : i32, i32
  }
}

module attributes {stable_mosaic.version = 14 : i64} {
  func.func @_out_body(%arg0: i32, %arg1: memref<2x2048x16xf32, #tpu.memory_space<vmem>>, %arg2: memref<2048x16xf32, #tpu.memory_space<vmem>>, %arg3: memref<2048x1xf32, #tpu.memory_space<vmem>>, %arg4: memref<1x16xf32, #tpu.memory_space<vmem>>, %arg5: memref<2048x16xf32, #tpu.memory_space<vmem>>) attributes {dimension_semantics = [#tpu.dimension_semantics<arbitrary>], iteration_bounds = array<i64: 5>, scalar_prefetch = 0 : i64, scratch_operands = 0 : i64, tpu.core_type = #tpu.core_type<tc>, window_params = [{transform_indices = @transform_0, window_bounds = array<i64: 2, 2048, 16>}, {transform_indices = @transform_1, window_bounds = array<i64: 2048, 16>}, {transform_indices = @transform_2, window_bounds = array<i64: 2048, 1>}, {pipeline_mode = #tpu.pipeline_mode<synchronous>, transform_indices = @transform_3, window_bounds = array<i64: 1, 16>}, {transform_indices = @transform_4, window_bounds = array<i64: 2048, 16>}]} {
    %get3A = arith.constant 0 : index
    %get3A_0 = arith.constant 0 : index
    %get3A_1 = arith.constant 0 : index
    %get3A_2 = vector.load %arg1[%get3A, %get3A_0, %get3A_1] : memref<2x2048x16xf32, #tpu.memory_space<vmem>>, vector<1x2048x16xf32>
    %get3A_3 = vector.shape_cast %get3A_2 : vector<1x2048x16xf32> to vector<2048x16xf32>
    %get3A_4 = arith.constant 1 : index
    %get3A_5 = arith.constant 0 : index
    %get3A_6 = arith.constant 0 : index
    %get3A_7 = vector.load %arg1[%get3A_4, %get3A_5, %get3A_6] : memref<2x2048x16xf32, #tpu.memory_space<vmem>>, vector<1x2048x16xf32>
    %get3A_8 = vector.shape_cast %get3A_7 : vector<1x2048x16xf32> to vector<2048x16xf32>
    %add3A = arith.addf %get3A_3, %get3A_8 : vector<2048x16xf32>
    %get3A_9 = arith.constant 0 : index
    %get3A_10 = arith.constant 0 : index
    %get3A_11 = vector.load %arg2[%get3A_9, %get3A_10] : memref<2048x16xf32, #tpu.memory_space<vmem>>, vector<2048x16xf32>
    %add3A_12 = arith.addf %add3A, %get3A_11 : vector<2048x16xf32>
    %get3A_13 = arith.constant 0 : index
    %get3A_14 = arith.constant 0 : index
    %get3A_15 = vector.load %arg3[%get3A_13, %get3A_14] : memref<2048x1xf32, #tpu.memory_space<vmem>>, vector<2048x1xf32>
    %mul3A = vector.broadcast %get3A_15 : vector<2048x1xf32> to vector<2048x16xf32>
    %mul3A_16 = arith.mulf %mul3A, %add3A_12 : vector<2048x16xf32>
    %get3A_17 = arith.constant 0 : index
    %get3A_18 = arith.constant 0 : index
    %get3A_19 = vector.load %arg4[%get3A_17, %get3A_18] : memref<1x16xf32, #tpu.memory_space<vmem>>, vector<1x16xf32>
    %add3A_20 = vector.broadcast %get3A_19 : vector<1x16xf32> to vector<2048x16xf32>
    %add3A_21 = arith.addf %mul3A_16, %add3A_20 : vector<2048x16xf32>
    %max3A = arith.constant 0.000000e+00 : f32
    %max3A_22 = vector.broadcast %max3A : f32 to vector<2048x16xf32>
    %max3A_23 = arith.maximumf %add3A_21, %max3A_22 : vector<2048x16xf32>
    %swap3A = arith.constant 0 : index
    %swap3A_24 = arith.constant 0 : index
    %swap3A_25 = vector.load %arg5[%swap3A, %swap3A_24] : memref<2048x16xf32, #tpu.memory_space<vmem>>, vector<2048x16xf32>
    tpu.vector_store %arg5[%swap3A, %swap3A_24], %max3A_23 {strides = array<i32>} : memref<2048x16xf32, #tpu.memory_space<vmem>>, vector<2048x16xf32>,
    return
  }
  func.func @transform_0(%arg0: i32) -> (i32, i32, i32) {
    %c0_i32 = arith.constant 0 : i32
    %c0_i32_0 = arith.constant 0 : i32
    %c0_i32_1 = arith.constant 0 : i32
    return %c0_i32, %arg0, %c0_i32_0 : i32, i32, i32
  }
  func.func @transform_1(%arg0: i32) -> (i32, i32) {
    %c0_i32 = arith.constant 0 : i32
    %c0_i32_0 = arith.constant 0 : i32
    return %arg0, %c0_i32 : i32, i32
  }
  func.func @transform_2(%arg0: i32) -> (i32, i32) {
    %c0_i32 = arith.constant 0 : i32
    %c0_i32_0 = arith.constant 0 : i32
    return %arg0, %c0_i32 : i32, i32
  }
  func.func @transform_3(%arg0: i32) -> (i32, i32) {
    %c0_i32 = arith.constant 0 : i32
    %c0_i32_0 = arith.constant 0 : i32
    %c0_i32_1 = arith.constant 0 : i32
    return %c0_i32, %c0_i32_0 : i32, i32
  }
  func.func @transform_4(%arg0: i32) -> (i32, i32) {
    %c0_i32 = arith.constant 0 : i32
    %c0_i32_0 = arith.constant 0 : i32
    return %arg0, %c0_i32 : i32, i32
  }
}

</mosaic_0001>

<sc_bundles>
// kernel: kernel.11.cloned.1.call-start
scs
__scs_entry_jumppad:
0x0: {  	(pc) =	sbr.rel $0x88, $3  }
0x1: {  	(tag) =	ssettag $0x0;
	lr =	simm.s32 $0x1  }
0x2: {  	[smem:$0x3F9B] =	sst lr;
	_ =	strace $0xD0000000  }
0x3: {  	_ = 	snop  }
0x4: {  	_ = 	snop  }
0x5: {  	_ = 	snop  }
0x6: {  	_ = 	snop  }
0x7: {  	_ = 	snop  }
__scs_overlays_trampoline_lowered:
0x8: {  	[smem:$0x3FAA] =	sst s0  }
0x9: {  	[smem:$0x3FAB] =	sst s1  }
0xa: {  	[smem:$0x3FAC] =	sst s2  }
0xb: {  	[smem:$0x3FAD] =	sst s3  }
0xc: {  	[smem:$0x3FAE] =	sst s4  }
0xd: {  	[smem:$0x3FAF] =	sst s5  }
0xe: {  	[smem:$0x3FB0] =	sst s6  }
0xf: {  	[smem:$0x3FB1] =	sst s7  }
0x10: {  	[smem:$0x3FB2] =	sst s8  }
0x11: {  	[smem:$0x3FB3] =	sst s9;
	s0 =	simm.s32 @!p0 $0x0  }
0x12: {  	s1 =	sld [smem:$0x3F99];
	s0 =	simm.s32 @p0 $0x1  }
0x13: {  	[smem:$0x3FB4] =	sst s0;
	s0 =	simm.s32 @!p1 $0x0  }
0x14: {  	s2 =	sld [smem:$0x3F98];
	s0 =	simm.s32 @p1 $0x1  }
0x15: {  	[smem:$0x3FB5] =	sst s0;
	s0 =	simm.s32 @!p2 $0x0  }
0x16: {  	s3 =	sld [smem:$0x3FDB];
	s0 =	simm.s32 @p2 $0x1  }
0x17: {  	s4 =	simm.s32 $0x1BF5;
	[smem:$0x3FB7] =	sst s0  }
0x18: {  	s0 =	sld [smem:$0x3F9A];
	_ =	swait.ge [sflag:s4], $0x0  }
0x19: {  	s7 =	sld [smem:$0x3F9B]  }
0x1a: {  	s8 =	sadd.s32 $0xFFFFE003, lr  }
0x1b: {  	s9 =	sadd.s32 $0xFFFFFEF7, lr;
	s5 =	simm.s32 $0xFFFFFFFF;
	p2 =	slt.u32 s8, $0xFFFFF086  }
0x1c: {  	p1 =	slt.u32 s9, $0xF7A;
	s5 =	simm.s32 @!p2 $0x0  }
0x1d: {  	s5 =	simm.s32 @p1 $0x1;
	p0 =	seq.s32 s7, s2  }
0x1e: {  	s7 =	smul.u32 @!p0 $0xF7A, s2;
	p2 =	seq.s32 @!p0 s5, $0x0  }
0x1f: {  	s9 =	smul.u32 $0xF7A, s1;
	s8 =	simm.s32 @!p0 $0x1BF5;
	p2 =	por !p2, p0  }
0x20: {  	[sflag:s8] =	ssyncset.s32 @!p0 $0xFFFFF086;
	s6 =	sadd.s32 @!p0 s3, s7;
	s7 =	simm.s32 @!p0 $0x108  }
0x21: {  	s3 =	sadd.s32 s3, s9;
	s6 =	sadd.s32 @!p0 $0x88, s6;
	s7 =	simm.s32 @p2 $0x1082  }
0x22: {  	[simem:s7], [sflag:s8] =	dma.local @!p0 [hbm:s6], $0xF7A  }
0x23: {  	s9 =	sor.u32 $0xD0000000, s2;
	s6 =	simm.s32 $0x108;
	_ =	swait.ge @!p0 [sflag:s8], $0x0  }
0x24: {  	s3 =	sadd.s32 $0x88, s3;
	s6 =	simm.s32 @!p1 $0x1082;
	[sflag:s4] =	ssyncset.s32 $0xFFFFF086  }
0x25: {  	[simem:s6], [sflag:s4] =	dma.local [hbm:s3], $0xF7A  }
0x26: {  	[smem:$0x3F9B] =	sst s1;
	(tag) =	ssettag s2;
	_ =	strace s9  }
0x27: {  	s1 =	sld [smem:$0x3FAB]  }
0x28: {  	s2 =	sld [smem:$0x3FAC]  }
0x29: {  	s4 =	sld [smem:$0x3FAE]  }
0x2a: {  	p0 =	seq.s32 s5, $0x0;
	s5 =	sld [smem:$0x3FAF]  }
0x2b: {  	s6 =	sld [smem:$0x3FB0]  }
0x2c: {  	s7 =	sld [smem:$0x3FB1]  }
0x2d: {  	s3 =	simm.s32 $0x108;
	s8 =	sld [smem:$0x3FB2]  }
0x2e: {  	s3 =	simm.s32 @!p0 $0x1082;
	s9 =	sld [smem:$0x3FB3]  }
0x2f: {  	lr =	sadd.s32 s0, s3;
	s0 =	sld [smem:$0x3FAA]  }
0x30: {  	s3 =	sld [smem:$0x3FAD]  }
0x31: {  	[smem:$0x3FB6] =	sst s10  }
0x32: {  	s10 =	sld [smem:$0x3FB4];
	_ =	sdelay $0x3  }
0x33: {  	p0 =	seq.s32 s10, $0x1;
	s10 =	sld [smem:$0x3FB6];
	_ =	sdelay $0x3  }
0x34: {  	[smem:$0x3FB6] =	sst s10  }
0x35: {  	s10 =	sld [smem:$0x3FB5];
	_ =	sdelay $0x3  }
0x36: {  	p1 =	seq.s32 s10, $0x1;
	s10 =	sld [smem:$0x3FB6];
	_ =	sdelay $0x3  }
0x37: {  	[smem:$0x3FB6] =	sst s10  }
0x38: {  	s10 =	sld [smem:$0x3FB7]  }
0x39: {  	_ = 	snop;
	(pc) =	sbr.ind lr, $3  }
0x3a: {  	_ = 	snop  }
0x3b: {  	_ = 	snop  }
0x3c: {  	p2 =	seq.s32 s10, $0x1;
	s10 =	sld [smem:$0x3FB6]  }
0x3d: {  	_ =	shalt  }
0x3e: {  	_ =	shalt  }
0x3f: {  	_ =	shalt  }
0x40: {  	_ =	shalt  }
0x41: {  	_ =	shalt  }
0x42: {  	_ =	shalt  }
0x43: {  	_ =	shalt  }
0x44: {  	_ =	shalt  }
0x45: {  	_ =	shalt  }
0x46: {  	_ =	shalt  }
0x47: {  	_ =	shalt  }
0x48: {  	_ =	shalt  }
0x49: {  	_ =	shalt  }
0x4a: {  	_ =	shalt  }
0x4b: {  	_ =	shalt  }
0x4c: {  	_ =	shalt  }
0x4d: {  	_ =	shalt  }
0x4e: {  	_ =	shalt  }
0x4f: {  	_ =	shalt  }
0x50: {  	_ =	shalt  }
0x51: {  	_ =	shalt  }
0x52: {  	_ =	shalt  }
0x53: {  	_ =	shalt  }
0x54: {  	_ =	shalt  }
0x55: {  	_ =	shalt  }
0x56: {  	_ =	shalt  }
0x57: {  	_ =	shalt  }
0x58: {  	_ =	shalt  }
0x59: {  	_ =	shalt  }
0x5a: {  	_ =	shalt  }
0x5b: {  	_ =	shalt  }
0x5c: {  	_ =	shalt  }
0x5d: {  	_ =	shalt  }
0x5e: {  	_ =	shalt  }
0x5f: {  	_ =	shalt  }
0x60: {  	_ =	shalt  }
0x61: {  	_ =	shalt  }
0x62: {  	_ =	shalt  }
0x63: {  	_ =	shalt  }
0x64: {  	_ =	shalt  }
0x65: {  	_ =	shalt  }
0x66: {  	_ =	shalt  }
0x67: {  	_ =	shalt  }
0x68: {  	_ =	shalt  }
0x69: {  	_ =	shalt  }
0x6a: {  	_ =	shalt  }
0x6b: {  	_ =	shalt  }
0x6c: {  	_ =	shalt  }
0x6d: {  	_ =	shalt  }
0x6e: {  	_ =	shalt  }
0x6f: {  	_ =	shalt  }
0x70: {  	_ =	shalt  }
0x71: {  	_ =	shalt  }
0x72: {  	_ =	shalt  }
0x73: {  	_ =	shalt  }
0x74: {  	_ =	shalt  }
0x75: {  	_ =	shalt  }
0x76: {  	_ =	shalt  }
0x77: {  	_ =	shalt  }
0x78: {  	_ =	shalt  }
0x79: {  	_ =	shalt  }
0x7a: {  	_ =	shalt  }
0x7b: {  	_ =	shalt  }
0x7c: {  	_ =	shalt  }
0x7d: {  	_ =	shalt  }
0x7e: {  	_ =	shalt  }
0x7f: {  	_ =	shalt  }
0x80: {  	_ =	shalt  }
0x81: {  	_ =	shalt  }
0x82: {  	_ =	shalt  }
0x83: {  	_ =	shalt  }
0x84: {  	_ =	shalt  }
0x85: {  	_ =	shalt  }
0x86: {  	_ =	shalt  }
0x87: {  	_ =	shalt  }
.Lfunc_end0:
.L_simem_size_0:
called_computation.1_lowered:
.L_overlay_start_0:
0x88: {  	s2 =	sld [smem:$0x3FD9]  }
0x89: {  	s3 =	sld [smem:$0x3FFE];
	_ =	sdelay $0x1  }
0x8a: {  	s1 =	srdreg.scid  }
0x8b: {  	s0 =	sand.u32 $0x1, s1  }
0x8c: {  	s16 =	sshll.u32 s0, $0xA;
	s2 =	sadd.s32 s3, s2  }
0x8d: {  	s2 =	sadd.s32 s2, s16  }
0x8e: {  	[smem:$0x3FC2] =	sst s2  }
0x8f: {  	_ = 	snop  }
0x90: {  	(tm) =	ssettm $0x1  }
0x91: {  	s17 =	sld [smem:$0x3FFB];
	_ =	sdelay $0x3  }
0x92: {  	_ =	strace s17  }
0x93: {  	s2 =	sld [smem:$0x3FFC];
	_ =	sdelay $0x3  }
0x94: {  	_ =	strace s2  }
0x95: {  	s2 =	sld [smem:$0x3FFD];
	_ =	sdelay $0x3  }
0x96: {  	_ =	strace s2  }
0x97: {  	_ =	strace $0x8FFFFFFF  }
0x98: {  	s18 =	sld [smem:$0x3FDB];
	_ =	sdelay $0x1  }
0x99: {  	s19 =	simm.s32 $_scs_section_size  }
0x9a: {  	s4 =	simm.s32 $_size__tile_overlayer_lowered;
	s5 =	simm.s32 $_tile_overlayer_lowered  }
0x9b: {  	s22 =	simm.s32 $0x1BFF;
	s21 =	sshll.u32 s5, $0x1;
	s2 =	sadd.s32 s19, s18  }
0x9c: {  	s6 =	simm.s32 $0x0;
	s20 =	sshll.u32 s4, $0x1;
	s4 =	sadd.s32 s21, s2  }
0x9d: {  	[timem:s6], [sflag:s22] =	dma.local [hbm:s4], s20  }
0x9e: {  	_ =	swait.ge [sflag:s22], s20  }
0x9f: {  	s3 =	ssub.s32 $0x0, s20;
	[sflag:s22] =	ssyncset.done $0x0  }
0xa0: {  	[sflag:s22] =	ssyncadd.s32 s3;
	_ =	sdelay $0x1  }
0xa1: {  	s23 =	simm.s32 $0x1B8B  }
0xa2: {  	_ =	swait.ge [sflag:s23], $0x1  }
0xa3: {  	[sflag:s23] =	ssyncset.done $0x0  }
0xa4: {  	s25 =	simm.s32 $0x1B8E;
	s24 =	sld [smem:$0x3FFE];
	[sflag:s23] =	ssyncadd.s32 $0xFFFFFFFF  }
0xa5: {  	s26 =	simm.s32 $execute0_lowered;
	[smem:$0x3FD2] =	sst s25  }
0xa6: {  	s4 =	sshll.u32 s26, $0x1;
	_ =	strace $0x80000049;
	[dreg:$0x1] =	wrdreg $0xFFFFFFFF  }
0xa7: {  	s28 =	simm.s32 $_size_execute0_lowered;
	s2 =	sadd.s32 s2, s4;
	[dreg:$0x0] =	wrdreg $0x0  }
0xa8: {  	s4 =	sshll.u32 s28, $0x1;
	[dreg:$0x2] =	wrdreg s2  }
0xa9: {  	[dreg:$0x3] =	wrdreg s4  }
0xaa: {  	[dreg:$0x4] =	wrdreg $0xC0  }
0xab: {  	_ =	task [dreg:s6], $0x5FFFF  }
0xac: {  	[dreg:$0x1] =	wrdreg $0xFFFFFFFF  }
0xad: {  	[dreg:$0x0] =	wrdreg $0x60  }
0xae: {  	[dreg:$0x2] =	wrdreg s24  }
0xaf: {  	[dreg:$0x3] =	wrdreg $0x8A800  }
0xb0: {  	[dreg:$0x4] =	wrdreg $0x9  }
0xb1: {  	_ =	task.clear_ibuf [dreg:s6], $0x5FFFF;
	_ =	strace $0x90000049  }
0xb2: {  	s29 =	simm.s32 $0x9;
	_ =	strace $0x8000004B  }
0xb3: {  	_ =	swait.ge [sflag:s29], $0x1  }
0xb4: {  	[sflag:s29] =	ssyncadd.s32 $0xFFFFFFFF  }
0xb5: {  	_ =	strace $0x9000004B  }
0xb6: {  	_ =	sfence  }
0xb7: {  	s30 =	sld [smem:$0x0];
	_ =	sdelay $0x2  }
0xb8: {  	s31 =	sshll.u32 s1, $0xD;
	s1 =	sshrl.u32 s1, $0x2  }
0xb9: {  	s3 =	sand.u32 $0x4000, s31;
	s1 =	sadd.s32 s1, s30  }
0xba: {  	s0 =	sor.u32 s3, s0;
	s1 =	sshll.u32 s1, $0x11  }
0xbb: {  	s0 =	sor.u32 s1, s0  }
0xbc: {  	s0 =	sadd.s32 $0x8F2B, s0  }
0xbd: {  	[sflag:s0] =	ssyncadd.remote.s32 $0x1  }
0xbe: {  	_ =	sfence.sel $0xFFFF  }
0xbf: {  	[dreg:$0x0] =	wrdreg $0xFFFFFFFF;
	(pc) =	sbr.abs _section_cstart, $3  }
0xc0: {  	[dreg:$0x1] =	wrdreg $0xFFFFFFFF  }
0xc1: {  	_ =	task.clear_ibuf [dreg:s6], $0x2FFFF;
	_ =	strace $0x9FFFFFFF  }
0xc2: {  	(tm) =	ssettm $0x7FFFFFFF  }
0xc3: {  	_ =	shalt  }
tec
execute0_lowered:
.L_overlay_start_1:
0x0: {  	(tag) =	ssettag $0x1  }
0x1: {  	s1 =	srdreg.scid;
	s5 =	rddreg [dreg:$0x0]  }
0x2: {  	s0 =	stileid.u32;
	s2 =	rddreg [dreg:$0x1];
	s3 =	simm.s32 $0x0  }
0x3: {  	s12 =	simm.s32 $0x2;
	s13 =	simm.s32 $0x80;
	s14 =	simm.s32 $0x7800  }
0x4: {  	s15 =	simm.s32 $0x8280;
	s16 =	simm.s32 $0x7880;
	s17 =	simm.s32 $0x7900  }
0x5: {  	s18 =	simm.s32 $0x7980;
	s19 =	simm.s32 $0x7A00;
	s21 =	simm.s32 $0x1  }
0x6: {  	s22 =	simm.s32 $0x0;
	s4 =	sand.u32 $0x1, s1;
	s8 =	smul.u32 $0x2800, s0  }
0x7: {  	s29 =	sshll.u32 s0, $0x1;
	[smem:$0x7FF] =	sst s3;
	s20 =	smul.u32 $0x280, s0  }
0x8: {  	s1 =	sor.u32 s4, s29;
	s7 =	smul.u32 $0x28000, s4;
	s30 =	ssub.s32 $0x2, s4  }
0x9: {  	s4 =	sadd.s32 $0x1800, s5;
	s6 =	smul.u32 $0x500, s1;
	s1 =	rddreg [dreg:$0x2]  }
0xa: {  	v0 =	vlaneseq.u32;
	_ =	strace $0x8000004A;
	s9 =	sshrl.u32 s30, $0x1;
	s7 =	sadd.s32 s7, s8  }
0xb: {  	v0 =	vor.u32 s20, v0;
	s20 =	simm.s32 $0x7A80;
	s6 =	sadd.s32 s6, s5;
	s7 =	sshrl.u32 s7, $0x3  }
0xc: {  	s31 =	ssub.s32 s30, s9;
	s11 =	sadd.s32 s7, s5;
	s5 =	sadd.s32 $0xB800, s6  }
0xd: {  	s6 =	smax.u32 s31, $0x1;
	s7 =	sadd.s32 $0x15800, s11;
	s8 =	sadd.s32 $0x15900, s11  }
0xe: {  	v1 =	vimm.f32 $0.0e+00;
	s9 =	sadd.s32 $0x15A00, s11;
	s10 =	sadd.s32 $0x15B00, s11;
	s11 =	sadd.s32 $0x15C00, s11  }
.LBB2_1:
0xf: {  	[tilespmem:s3], [sflag:$0x2] =	stream.linear.gather [hbm4b:s5+s3], $0x2800, $0x38;
	[tilespmem:$0xB280] =	vst v63  }
0x10: {  	s23 =	sand.u32 $0xE00, s3;
	s24 =	sand.u32 $0x70, s3;
	_ =	swait.ge [sflag:s12], $0x2800  }
0x11: {  	s25 =	sshrl.u32 s23, $0x2;
	s23 =	simm.s32 $0x40;
	[sflag:s12] =	ssyncset.done $0x0  }
0x12: {  	v2 =	vadd.s32 s3, v0;
	s25 =	sor.u32 s24, s25;
	s24 =	simm.s32 $0x0;
	[sflag:s12] =	ssyncadd.s32 $0xFFFFD800  }
.LBB2_2:
0x13: {  	p0 =	sne.s32 s23, $0x9C0  }
0x14: {  	[tilespmem:s25+$0x7800] =	vst v2;
	s24 =	sadd.s32 $0x10, s24;
	s25 =	smov.u32 s23;
	s23 =	sadd.s32 $0x40, s23  }
.Ltmp0:
0x15: {  	(pc) =	sbr.rel @p0 .LBB2_2-.Ltmp0, $4  }
0x16: {  	_ = 	snop  }
0x17: {  	s25 =	sand.u32 $0xE00, s25  }
0x18: {  	s26 =	sand.u32 $0x70, s24;
	s25 =	sshrl.u32 s25, $0x2  }
0x19: {  	v2 =	vadd.s32 s24, v0;
	s25 =	sor.u32 s26, s25  }
0x1a: {  	[tilespmem:s25+$0x7800] =	vst v2;
	s23 =	simm.s32 $0x40;
	s24 =	simm.s32 $0x0  }
.LBB2_4:
0x1b: {  	p0 =	sne.s32 s23, $0x1FC0;
	[tilespmem:s24+$0x8280] =	vst v1;
	s24 =	smov.u32 s23;
	s23 =	sadd.s32 $0x40, s23  }
.Ltmp1:
0x1c: {  	(pc) =	sbr.rel @p0 .LBB2_4-.Ltmp1, $2  }
0x1d: {  	_ =	sdelay $0x2  }
0x1e: {  	s24 =	sshra.s32 s24, $0x2  }
0x1f: {  	[tilespmem:s24+$0x8280] =	vst v1;
	s23 =	simm.s32 $0x0  }
0x20: {  	v2 =	vld [tilespmem:s23+$0x0]  }
0x21: {  	s24 =	simm.s32 $0x40  }
.LBB2_6:
0x22: {  	p0 =	sne.s32 s24, $0x9FC0  }
.Ltmp2:
0x23: {  	_ = 	snop;
	(pc) =	sbr.rel @p0 .LBB2_6-.Ltmp2, $4  }
0x24: {  	_ = 	snop  }
0x25: {  	s25 =	sshra.s32 s24, $0x2;
	s24 =	sadd.s32 $0x40, s24;
	v3 =	vshrl.u32 v2, $0xE;
	v4 =	vand.u32 $0x3FFF, v2  }
0x26: {  	v2 =	vld [tilespmem:s25+$0x0];
	[tilespmem:s23+$0x5000] =	vst v4  }
0x27: {  	[tilespmem:s23+$0x2800] =	vst v3;
	s23 =	smov.u32 s25  }
0x28: {  	_ =	sdelay $0x2  }
0x29: {  	v3 =	vand.u32 $0x3FFF, v2  }
0x2a: {  	v2 =	vshrl.u32 v2, $0xE;
	[tilespmem:s23+$0x5000] =	vst v3  }
0x2b: {  	[tilespmem:s23+$0x2800] =	vst v2  }
0x2c: {  	[spmem:s2] =	stream.indirect.scatter [tilespmem:s15], [sflag:$0x2], $0x10, s14, s13, $0xb8;
	[tilespmem:$0xB280] =	vst v63  }
0x2d: {  	_ =	swait.ge [sflag:s12], $0x800  }
0x2e: {  	[sflag:s12] =	ssyncset.done $0x0  }
0x2f: {  	[sflag:s12] =	ssyncadd.s32 $0xFFFFF800  }
0x30: {  	[spmem:s2] =	stream.indirect.scatter [tilespmem:s15], [sflag:$0x2], $0x10, s16, s13, $0xb8;
	[tilespmem:$0xB280] =	vst v63  }
0x31: {  	_ =	swait.ge [sflag:s12], $0x800  }
0x32: {  	[sflag:s12] =	ssyncset.done $0x0  }
0x33: {  	[sflag:s12] =	ssyncadd.s32 $0xFFFFF800  }
0x34: {  	[spmem:s2] =	stream.indirect.scatter [tilespmem:s15], [sflag:$0x2], $0x10, s17, s13, $0xb8;
	[tilespmem:$0xB280] =	vst v63  }
0x35: {  	_ =	swait.ge [sflag:s12], $0x800  }
0x36: {  	[sflag:s12] =	ssyncset.done $0x0  }
0x37: {  	[sflag:s12] =	ssyncadd.s32 $0xFFFFF800  }
0x38: {  	[spmem:s2] =	stream.indirect.scatter [tilespmem:s15], [sflag:$0x2], $0x10, s18, s13, $0xb8;
	[tilespmem:$0xB280] =	vst v63  }
0x39: {  	_ =	swait.ge [sflag:s12], $0x800  }
0x3a: {  	[sflag:s12] =	ssyncset.done $0x0  }
0x3b: {  	[sflag:s12] =	ssyncadd.s32 $0xFFFFF800  }
0x3c: {  	[spmem:s2] =	stream.indirect.scatter [tilespmem:s15], [sflag:$0x2], $0x10, s19, s13, $0xb8;
	[tilespmem:$0xB280] =	vst v63  }
0x3d: {  	_ =	swait.ge [sflag:s12], $0x800  }
0x3e: {  	[sflag:s12] =	ssyncset.done $0x0  }
0x3f: {  	[sflag:s12] =	ssyncadd.s32 $0xFFFFF800  }
0x40: {  	s30 =	simm.s32 $0x2800;
	[bflag:$0x0] =	sbarrier.arrive $0xFFFF  }
0x41: {  	[tilespmem:s20], [sflag:$0x1] =	stream.indirect.gather [hbm4b:s4+s13], $0x10, s30, s13, $0xb8;
	[tilespmem:$0xB280] =	vst v63  }
0x42: {  	_ =	swait.ge [sflag:s21], $0x800  }
0x43: {  	[sflag:s21] =	ssyncset.done $0x0  }
0x44: {  	s31 =	simm.s32 $0x5000;
	[sflag:s21] =	ssyncadd.s32 $0xFFFFF800  }
0x45: {  	[spmem:s2] =	stream.indirect.scatter.add.f32 [tilespmem:s20], [sflag:$0x2], $0x10, s31, s13, $0xb8;
	[tilespmem:$0xB280] =	vst v63  }
0x46: {  	_ =	swait.ge [sflag:s12], $0x800  }
0x47: {  	s24 =	simm.s32 $0x400;
	s23 =	simm.s32 $0x80;
	[sflag:s12] =	ssyncset.done $0x0  }
.LBB2_8:
0x48: {  	s25 =	sadd.s32 $0x2800, s23  }
0x49: {  	[sflag:s12] =	ssyncadd.s32 $0xFFFFF800;
	s26 =	smov.u32 s24;
	s28 =	sadd.s32 $0x200, s24  }
0x4a: {  	[tilespmem:s20], [sflag:$0x1] =	stream.indirect.gather [hbm4b:s4+s13], $0x10, s25, s13, $0xb8;
	[tilespmem:$0xB280] =	vst v63  }
0x4b: {  	p0 =	sne.s32 s24, $0x9E00;
	_ =	swait.ge [sflag:s21], $0x800  }
.Ltmp3:
0x4c: {  	[sflag:s21] =	ssyncset.done $0x0;
	(pc) =	sbr.rel @p0 .LBB2_8-.Ltmp3, $4  }
0x4d: {  	s23 =	sadd.s32 $0x5000, s23;
	[sflag:s21] =	ssyncadd.s32 $0xFFFFF800  }
0x4e: {  	[spmem:s2] =	stream.indirect.scatter.add.f32 [tilespmem:s20], [sflag:$0x2], $0x10, s23, s13, $0xb8;
	[tilespmem:$0xB280] =	vst v63  }
0x4f: {  	_ =	swait.ge [sflag:s12], $0x800  }
0x50: {  	s24 =	smov.u32 s28;
	s23 =	sshra.s32 s26, $0x2;
	[sflag:s12] =	ssyncset.done $0x0  }
0x51: {  	s24 =	sadd.s32 $0x2800, s23;
	[sflag:s12] =	ssyncadd.s32 $0xFFFFF800  }
0x52: {  	[tilespmem:s20], [sflag:$0x1] =	stream.indirect.gather [hbm4b:s4+s13], $0x10, s24, s13, $0xb8;
	[tilespmem:$0xB280] =	vst v63  }
0x53: {  	_ =	swait.ge [sflag:s21], $0x800  }
0x54: {  	[sflag:s21] =	ssyncset.done $0x0  }
0x55: {  	s31 =	sadd.s32 $0x5000, s23;
	[sflag:s21] =	ssyncadd.s32 $0xFFFFF800  }
0x56: {  	[spmem:s2] =	stream.indirect.scatter.add.f32 [tilespmem:s20], [sflag:$0x2], $0x10, s31, s13, $0xb8;
	[tilespmem:$0xB280] =	vst v63  }
0x57: {  	_ =	swait.ge [sflag:s12], $0x800  }
0x58: {  	[sflag:s12] =	ssyncset.done $0x0  }
0x59: {  	[sflag:s12] =	ssyncadd.s32 $0xFFFFF800  }
0x5a: {  	[bflag:$0x0] =	sbarrier.arrive $0xFFFF  }
0x5b: {  	[tilespmem:s15], [sflag:$0x1] =	stream.indirect.gather [spmem:s2], $0x10, s14, s13, $0xb8;
	[tilespmem:$0xB280] =	vst v63  }
0x5c: {  	_ =	swait.ge [sflag:s21], $0x800  }
0x5d: {  	[sflag:s21] =	ssyncset.done $0x0  }
0x5e: {  	[sflag:s21] =	ssyncadd.s32 $0xFFFFF800  }
0x5f: {  	[hbm4b:s7+s3] =	stream.linear.scatter [tilespmem:s15], [sflag:$0x2], $0x800, $0x38;
	[tilespmem:$0xB280] =	vst v63  }
0x60: {  	_ =	swait.ge [sflag:s12], $0x800  }
0x61: {  	[sflag:s12] =	ssyncset.done $0x0  }
0x62: {  	[sflag:s12] =	ssyncadd.s32 $0xFFFFF800  }
0x63: {  	[tilespmem:s15], [sflag:$0x1] =	stream.indirect.gather [spmem:s2], $0x10, s16, s13, $0xb8;
	[tilespmem:$0xB280] =	vst v63  }
0x64: {  	_ =	swait.ge [sflag:s21], $0x800  }
0x65: {  	[sflag:s21] =	ssyncset.done $0x0  }
0x66: {  	[sflag:s21] =	ssyncadd.s32 $0xFFFFF800  }
0x67: {  	[hbm4b:s8+s3] =	stream.linear.scatter [tilespmem:s15], [sflag:$0x2], $0x800, $0x38;
	[tilespmem:$0xB280] =	vst v63  }
0x68: {  	_ =	swait.ge [sflag:s12], $0x800  }
0x69: {  	[sflag:s12] =	ssyncset.done $0x0  }
0x6a: {  	[sflag:s12] =	ssyncadd.s32 $0xFFFFF800  }
0x6b: {  	[tilespmem:s15], [sflag:$0x1] =	stream.indirect.gather [spmem:s2], $0x10, s17, s13, $0xb8;
	[tilespmem:$0xB280] =	vst v63  }
0x6c: {  	_ =	swait.ge [sflag:s21], $0x800  }
0x6d: {  	[sflag:s21] =	ssyncset.done $0x0  }
0x6e: {  	[sflag:s21] =	ssyncadd.s32 $0xFFFFF800  }
0x6f: {  	[hbm4b:s9+s3] =	stream.linear.scatter [tilespmem:s15], [sflag:$0x2], $0x800, $0x38;
	[tilespmem:$0xB280] =	vst v63  }
0x70: {  	_ =	swait.ge [sflag:s12], $0x800  }
0x71: {  	[sflag:s12] =	ssyncset.done $0x0  }
0x72: {  	[sflag:s12] =	ssyncadd.s32 $0xFFFFF800  }
0x73: {  	[tilespmem:s15], [sflag:$0x1] =	stream.indirect.gather [spmem:s2], $0x10, s18, s13, $0xb8;
	[tilespmem:$0xB280] =	vst v63  }
0x74: {  	_ =	swait.ge [sflag:s21], $0x800  }
0x75: {  	[sflag:s21] =	ssyncset.done $0x0  }
0x76: {  	[sflag:s21] =	ssyncadd.s32 $0xFFFFF800  }
0x77: {  	[hbm4b:s10+s3] =	stream.linear.scatter [tilespmem:s15], [sflag:$0x2], $0x800, $0x38;
	[tilespmem:$0xB280] =	vst v63  }
0x78: {  	_ =	swait.ge [sflag:s12], $0x800  }
0x79: {  	[sflag:s12] =	ssyncset.done $0x0  }
0x7a: {  	[sflag:s12] =	ssyncadd.s32 $0xFFFFF800  }
0x7b: {  	[tilespmem:s15], [sflag:$0x1] =	stream.indirect.gather [spmem:s2], $0x10, s19, s13, $0xb8;
	[tilespmem:$0xB280] =	vst v63  }
0x7c: {  	s22 =	sadd.s32 $0x1, s22;
	_ =	swait.ge [sflag:s21], $0x800  }
0x7d: {  	p0 =	sne.s32 s22, s6;
	[sflag:s21] =	ssyncset.done $0x0  }
.Ltmp4:
0x7e: {  	[sflag:s21] =	ssyncadd.s32 $0xFFFFF800;
	(pc) =	sbr.rel @p0 .LBB2_1-.Ltmp4, $4  }
0x7f: {  	[hbm4b:s11+s3] =	stream.linear.scatter [tilespmem:s15], [sflag:$0x2], $0x800, $0x38;
	[tilespmem:$0xB280] =	vst v63  }
0x80: {  	_ =	swait.ge [sflag:s12], $0x800  }
0x81: {  	[sflag:s12] =	ssyncset.done $0x0  }
0x82: {  	[sflag:s12] =	ssyncadd.s32 $0xFFFFF800  }
0x83: {  	_ =	sfence.sel $0x180000  }
0x84: {  	[bflag:$0x0] =	sbarrier.arrive $0xFFFF  }
0x85: {  	p0 =	sne.s32 s0, $0x0;
	_ =	strace $0x9000004A  }
0x86: {  	s0 =	sadd.s32 @!p0 $0x100000, s1;
	[bflag:$0x2] =	sbarrier.arrive $0xFFFF  }
0x87: {  	[sflag:s0] =	ssyncadd.tile.s32 @!p0 $0x1;
	_ =	shalt  }
.Lfunc_end2:
_tile_overlayer_lowered:
.L_overlay_start_2:
0x88: {  	(tag) =	ssettag $0x2  }
0x89: {  	s0 =	rddreg [dreg:$0x0];
	s2 =	stileid.u32  }
0x8a: {  	s1 =	rddreg [dreg:$0x1];
	p0 =	sne.s32 s2, $0x0  }
0x8b: {  	s3 =	rddreg [dreg:$0x2];
	[bflag:$0x3] =	sbarrier.arrive $0xFFFF;
	s2 =	simm.s32 @!p0 $0x1C02  }
0x8c: {  	[timem:s3], [sflag:s2] =	dma.local @!p0 [hbm:s0], s1  }
0x8d: {  	s0 =	simm.s32 @!p0 $0x2  }
0x8e: {  	_ =	swait.ge @!p0 [sflag:s0], s1  }
0x8f: {  	s1 =	ssub.s32 @!p0 $0x0, s1;
	[sflag:s0] =	ssyncset.done @!p0 $0x0  }
0x90: {  	[sflag:s0] =	ssyncadd.s32 @!p0 s1  }
0x91: {  	[bflag:$0x3] =	sbarrier.arrive $0xFFFF  }
0x92: {  	_ =	shalt  }

// kernel: kernel.14.cloned.1.call-start
scs
__scs_entry_jumppad:
0x0: {  	(pc) =	sbr.rel $0x88, $3  }
0x1: {  	(tag) =	ssettag $0x0;
	lr =	simm.s32 $0x1  }
0x2: {  	[smem:$0x3F9B] =	sst lr;
	_ =	strace $0xD0000000  }
0x3: {  	_ = 	snop  }
0x4: {  	_ = 	snop  }
0x5: {  	_ = 	snop  }
0x6: {  	_ = 	snop  }
0x7: {  	_ = 	snop  }
__scs_overlays_trampoline_lowered:
0x8: {  	[smem:$0x3FAA] =	sst s0  }
0x9: {  	[smem:$0x3FAB] =	sst s1  }
0xa: {  	[smem:$0x3FAC] =	sst s2  }
0xb: {  	[smem:$0x3FAD] =	sst s3  }
0xc: {  	[smem:$0x3FAE] =	sst s4  }
0xd: {  	[smem:$0x3FAF] =	sst s5  }
0xe: {  	[smem:$0x3FB0] =	sst s6  }
0xf: {  	[smem:$0x3FB1] =	sst s7  }
0x10: {  	[smem:$0x3FB2] =	sst s8  }
0x11: {  	[smem:$0x3FB3] =	sst s9;
	s0 =	simm.s32 @!p0 $0x0  }
0x12: {  	s1 =	sld [smem:$0x3F99];
	s0 =	simm.s32 @p0 $0x1  }
0x13: {  	[smem:$0x3FB4] =	sst s0;
	s0 =	simm.s32 @!p1 $0x0  }
0x14: {  	s2 =	sld [smem:$0x3F98];
	s0 =	simm.s32 @p1 $0x1  }
0x15: {  	[smem:$0x3FB5] =	sst s0;
	s0 =	simm.s32 @!p2 $0x0  }
0x16: {  	s3 =	sld [smem:$0x3FDB];
	s0 =	simm.s32 @p2 $0x1  }
0x17: {  	s4 =	simm.s32 $0x1BF5;
	[smem:$0x3FB7] =	sst s0  }
0x18: {  	s0 =	sld [smem:$0x3F9A];
	_ =	swait.ge [sflag:s4], $0x0  }
0x19: {  	s7 =	sld [smem:$0x3F9B]  }
0x1a: {  	s8 =	sadd.s32 $0xFFFFE003, lr  }
0x1b: {  	s9 =	sadd.s32 $0xFFFFFEF7, lr;
	s5 =	simm.s32 $0xFFFFFFFF;
	p2 =	slt.u32 s8, $0xFFFFF086  }
0x1c: {  	p1 =	slt.u32 s9, $0xF7A;
	s5 =	simm.s32 @!p2 $0x0  }
0x1d: {  	s5 =	simm.s32 @p1 $0x1;
	p0 =	seq.s32 s7, s2  }
0x1e: {  	s7 =	smul.u32 @!p0 $0xF7A, s2;
	p2 =	seq.s32 @!p0 s5, $0x0  }
0x1f: {  	s9 =	smul.u32 $0xF7A, s1;
	s8 =	simm.s32 @!p0 $0x1BF5;
	p2 =	por !p2, p0  }
0x20: {  	[sflag:s8] =	ssyncset.s32 @!p0 $0xFFFFF086;
	s6 =	sadd.s32 @!p0 s3, s7;
	s7 =	simm.s32 @!p0 $0x108  }
0x21: {  	s3 =	sadd.s32 s3, s9;
	s6 =	sadd.s32 @!p0 $0x88, s6;
	s7 =	simm.s32 @p2 $0x1082  }
0x22: {  	[simem:s7], [sflag:s8] =	dma.local @!p0 [hbm:s6], $0xF7A  }
0x23: {  	s9 =	sor.u32 $0xD0000000, s2;
	s6 =	simm.s32 $0x108;
	_ =	swait.ge @!p0 [sflag:s8], $0x0  }
0x24: {  	s3 =	sadd.s32 $0x88, s3;
	s6 =	simm.s32 @!p1 $0x1082;
	[sflag:s4] =	ssyncset.s32 $0xFFFFF086  }
0x25: {  	[simem:s6], [sflag:s4] =	dma.local [hbm:s3], $0xF7A  }
0x26: {  	[smem:$0x3F9B] =	sst s1;
	(tag) =	ssettag s2;
	_ =	strace s9  }
0x27: {  	s1 =	sld [smem:$0x3FAB]  }
0x28: {  	s2 =	sld [smem:$0x3FAC]  }
0x29: {  	s4 =	sld [smem:$0x3FAE]  }
0x2a: {  	p0 =	seq.s32 s5, $0x0;
	s5 =	sld [smem:$0x3FAF]  }
0x2b: {  	s6 =	sld [smem:$0x3FB0]  }
0x2c: {  	s7 =	sld [smem:$0x3FB1]  }
0x2d: {  	s3 =	simm.s32 $0x108;
	s8 =	sld [smem:$0x3FB2]  }
0x2e: {  	s3 =	simm.s32 @!p0 $0x1082;
	s9 =	sld [smem:$0x3FB3]  }
0x2f: {  	lr =	sadd.s32 s0, s3;
	s0 =	sld [smem:$0x3FAA]  }
0x30: {  	s3 =	sld [smem:$0x3FAD]  }
0x31: {  	[smem:$0x3FB6] =	sst s10  }
0x32: {  	s10 =	sld [smem:$0x3FB4];
	_ =	sdelay $0x3  }
0x33: {  	p0 =	seq.s32 s10, $0x1;
	s10 =	sld [smem:$0x3FB6];
	_ =	sdelay $0x3  }
0x34: {  	[smem:$0x3FB6] =	sst s10  }
0x35: {  	s10 =	sld [smem:$0x3FB5];
	_ =	sdelay $0x3  }
0x36: {  	p1 =	seq.s32 s10, $0x1;
	s10 =	sld [smem:$0x3FB6];
	_ =	sdelay $0x3  }
0x37: {  	[smem:$0x3FB6] =	sst s10  }
0x38: {  	s10 =	sld [smem:$0x3FB7]  }
0x39: {  	_ = 	snop;
	(pc) =	sbr.ind lr, $3  }
0x3a: {  	_ = 	snop  }
0x3b: {  	_ = 	snop  }
0x3c: {  	p2 =	seq.s32 s10, $0x1;
	s10 =	sld [smem:$0x3FB6]  }
0x3d: {  	_ =	shalt  }
0x3e: {  	_ =	shalt  }
0x3f: {  	_ =	shalt  }
0x40: {  	_ =	shalt  }
0x41: {  	_ =	shalt  }
0x42: {  	_ =	shalt  }
0x43: {  	_ =	shalt  }
0x44: {  	_ =	shalt  }
0x45: {  	_ =	shalt  }
0x46: {  	_ =	shalt  }
0x47: {  	_ =	shalt  }
0x48: {  	_ =	shalt  }
0x49: {  	_ =	shalt  }
0x4a: {  	_ =	shalt  }
0x4b: {  	_ =	shalt  }
0x4c: {  	_ =	shalt  }
0x4d: {  	_ =	shalt  }
0x4e: {  	_ =	shalt  }
0x4f: {  	_ =	shalt  }
0x50: {  	_ =	shalt  }
0x51: {  	_ =	shalt  }
0x52: {  	_ =	shalt  }
0x53: {  	_ =	shalt  }
0x54: {  	_ =	shalt  }
0x55: {  	_ =	shalt  }
0x56: {  	_ =	shalt  }
0x57: {  	_ =	shalt  }
0x58: {  	_ =	shalt  }
0x59: {  	_ =	shalt  }
0x5a: {  	_ =	shalt  }
0x5b: {  	_ =	shalt  }
0x5c: {  	_ =	shalt  }
0x5d: {  	_ =	shalt  }
0x5e: {  	_ =	shalt  }
0x5f: {  	_ =	shalt  }
0x60: {  	_ =	shalt  }
0x61: {  	_ =	shalt  }
0x62: {  	_ =	shalt  }
0x63: {  	_ =	shalt  }
0x64: {  	_ =	shalt  }
0x65: {  	_ =	shalt  }
0x66: {  	_ =	shalt  }
0x67: {  	_ =	shalt  }
0x68: {  	_ =	shalt  }
0x69: {  	_ =	shalt  }
0x6a: {  	_ =	shalt  }
0x6b: {  	_ =	shalt  }
0x6c: {  	_ =	shalt  }
0x6d: {  	_ =	shalt  }
0x6e: {  	_ =	shalt  }
0x6f: {  	_ =	shalt  }
0x70: {  	_ =	shalt  }
0x71: {  	_ =	shalt  }
0x72: {  	_ =	shalt  }
0x73: {  	_ =	shalt  }
0x74: {  	_ =	shalt  }
0x75: {  	_ =	shalt  }
0x76: {  	_ =	shalt  }
0x77: {  	_ =	shalt  }
0x78: {  	_ =	shalt  }
0x79: {  	_ =	shalt  }
0x7a: {  	_ =	shalt  }
0x7b: {  	_ =	shalt  }
0x7c: {  	_ =	shalt  }
0x7d: {  	_ =	shalt  }
0x7e: {  	_ =	shalt  }
0x7f: {  	_ =	shalt  }
0x80: {  	_ =	shalt  }
0x81: {  	_ =	shalt  }
0x82: {  	_ =	shalt  }
0x83: {  	_ =	shalt  }
0x84: {  	_ =	shalt  }
0x85: {  	_ =	shalt  }
0x86: {  	_ =	shalt  }
0x87: {  	_ =	shalt  }
.Lfunc_end0:
.L_simem_size_0:
called_computation.2_lowered:
.L_overlay_start_0:
0x88: {  	s2 =	sld [smem:$0x3FD9]  }
0x89: {  	s3 =	sld [smem:$0x3FFE];
	_ =	sdelay $0x1  }
0x8a: {  	s1 =	srdreg.scid  }
0x8b: {  	s0 =	sand.u32 $0x1, s1  }
0x8c: {  	s16 =	sshll.u32 s0, $0xA;
	s2 =	sadd.s32 s3, s2  }
0x8d: {  	s2 =	sadd.s32 s2, s16  }
0x8e: {  	[smem:$0x3FC2] =	sst s2  }
0x8f: {  	_ = 	snop  }
0x90: {  	(tm) =	ssettm $0x1  }
0x91: {  	s17 =	sld [smem:$0x3FFB];
	_ =	sdelay $0x3  }
0x92: {  	_ =	strace s17  }
0x93: {  	s2 =	sld [smem:$0x3FFC];
	_ =	sdelay $0x3  }
0x94: {  	_ =	strace s2  }
0x95: {  	s2 =	sld [smem:$0x3FFD];
	_ =	sdelay $0x3  }
0x96: {  	_ =	strace s2  }
0x97: {  	_ =	strace $0x8FFFFFFF  }
0x98: {  	s18 =	sld [smem:$0x3FDB];
	_ =	sdelay $0x1  }
0x99: {  	s19 =	simm.s32 $_scs_section_size  }
0x9a: {  	s4 =	simm.s32 $_size__tile_overlayer_lowered;
	s5 =	simm.s32 $_tile_overlayer_lowered  }
0x9b: {  	s22 =	simm.s32 $0x1BFF;
	s21 =	sshll.u32 s5, $0x1;
	s2 =	sadd.s32 s19, s18  }
0x9c: {  	s6 =	simm.s32 $0x0;
	s20 =	sshll.u32 s4, $0x1;
	s4 =	sadd.s32 s21, s2  }
0x9d: {  	[timem:s6], [sflag:s22] =	dma.local [hbm:s4], s20  }
0x9e: {  	_ =	swait.ge [sflag:s22], s20  }
0x9f: {  	s3 =	ssub.s32 $0x0, s20;
	[sflag:s22] =	ssyncset.done $0x0  }
0xa0: {  	[sflag:s22] =	ssyncadd.s32 s3;
	_ =	sdelay $0x1  }
0xa1: {  	s23 =	simm.s32 $0x1B8B  }
0xa2: {  	_ =	swait.ge [sflag:s23], $0x1  }
0xa3: {  	[sflag:s23] =	ssyncset.done $0x0  }
0xa4: {  	s25 =	simm.s32 $0x1B8E;
	s24 =	sld [smem:$0x3FFE];
	[sflag:s23] =	ssyncadd.s32 $0xFFFFFFFF  }
0xa5: {  	s26 =	simm.s32 $execute0_lowered;
	[smem:$0x3FD2] =	sst s25  }
0xa6: {  	s4 =	sshll.u32 s26, $0x1;
	_ =	strace $0x8000004C;
	[dreg:$0x1] =	wrdreg $0xFFFFFFFF  }
0xa7: {  	s28 =	simm.s32 $_size_execute0_lowered;
	s2 =	sadd.s32 s2, s4;
	[dreg:$0x0] =	wrdreg $0x0  }
0xa8: {  	s4 =	sshll.u32 s28, $0x1;
	[dreg:$0x2] =	wrdreg s2  }
0xa9: {  	[dreg:$0x3] =	wrdreg s4  }
0xaa: {  	[dreg:$0x4] =	wrdreg $0xC0  }
0xab: {  	_ =	task [dreg:s6], $0x5FFFF  }
0xac: {  	[dreg:$0x1] =	wrdreg $0xFFFFFFFF  }
0xad: {  	[dreg:$0x0] =	wrdreg $0x60  }
0xae: {  	[dreg:$0x2] =	wrdreg s24  }
0xaf: {  	[dreg:$0x3] =	wrdreg $0x8A800  }
0xb0: {  	[dreg:$0x4] =	wrdreg $0x9  }
0xb1: {  	_ =	task.clear_ibuf [dreg:s6], $0x5FFFF;
	_ =	strace $0x9000004C  }
0xb2: {  	s29 =	simm.s32 $0x9;
	_ =	strace $0x8000004E  }
0xb3: {  	_ =	swait.ge [sflag:s29], $0x1  }
0xb4: {  	[sflag:s29] =	ssyncadd.s32 $0xFFFFFFFF  }
0xb5: {  	_ =	strace $0x9000004E  }
0xb6: {  	_ =	sfence  }
0xb7: {  	s30 =	sld [smem:$0x0];
	_ =	sdelay $0x2  }
0xb8: {  	s31 =	sshll.u32 s1, $0xD;
	s1 =	sshrl.u32 s1, $0x2  }
0xb9: {  	s3 =	sand.u32 $0x4000, s31;
	s1 =	sadd.s32 s1, s30  }
0xba: {  	s0 =	sor.u32 s3, s0;
	s1 =	sshll.u32 s1, $0x11  }
0xbb: {  	s0 =	sor.u32 s1, s0  }
0xbc: {  	s0 =	sadd.s32 $0x8F2B, s0  }
0xbd: {  	[sflag:s0] =	ssyncadd.remote.s32 $0x1  }
0xbe: {  	_ =	sfence.sel $0xFFFF  }
0xbf: {  	[dreg:$0x0] =	wrdreg $0xFFFFFFFF;
	(pc) =	sbr.abs _section_cstart, $3  }
0xc0: {  	[dreg:$0x1] =	wrdreg $0xFFFFFFFF  }
0xc1: {  	_ =	task.clear_ibuf [dreg:s6], $0x2FFFF;
	_ =	strace $0x9FFFFFFF  }
0xc2: {  	(tm) =	ssettm $0x7FFFFFFF  }
0xc3: {  	_ =	shalt  }
tec
execute0_lowered:
.L_overlay_start_1:
0x0: {  	(tag) =	ssettag $0x1  }
0x1: {  	s1 =	srdreg.scid;
	s5 =	rddreg [dreg:$0x0]  }
0x2: {  	s0 =	stileid.u32;
	s2 =	rddreg [dreg:$0x1];
	s3 =	simm.s32 $0x0  }
0x3: {  	s12 =	simm.s32 $0x2;
	s13 =	simm.s32 $0x80;
	s14 =	simm.s32 $0x7800  }
0x4: {  	s15 =	simm.s32 $0x8280;
	s16 =	simm.s32 $0x7880;
	s17 =	simm.s32 $0x7900  }
0x5: {  	s18 =	simm.s32 $0x7980;
	s19 =	simm.s32 $0x7A00;
	s21 =	simm.s32 $0x1  }
0x6: {  	s22 =	simm.s32 $0x0;
	s4 =	sand.u32 $0x1, s1;
	s8 =	smul.u32 $0x2800, s0  }
0x7: {  	s29 =	sshll.u32 s0, $0x1;
	[smem:$0x7FF] =	sst s3;
	s20 =	smul.u32 $0x280, s0  }
0x8: {  	s1 =	sor.u32 s4, s29;
	s7 =	smul.u32 $0x28000, s4;
	s30 =	ssub.s32 $0x2, s4  }
0x9: {  	s4 =	sadd.s32 $0x1800, s5;
	s6 =	smul.u32 $0x500, s1;
	s1 =	rddreg [dreg:$0x2]  }
0xa: {  	v0 =	vlaneseq.u32;
	_ =	strace $0x8000004D;
	s9 =	sshrl.u32 s30, $0x1;
	s7 =	sadd.s32 s7, s8  }
0xb: {  	v0 =	vor.u32 s20, v0;
	s20 =	simm.s32 $0x7A80;
	s6 =	sadd.s32 s6, s5;
	s7 =	sshrl.u32 s7, $0x3  }
0xc: {  	s31 =	ssub.s32 s30, s9;
	s11 =	sadd.s32 s7, s5;
	s5 =	sadd.s32 $0xB800, s6  }
0xd: {  	s6 =	smax.u32 s31, $0x1;
	s7 =	sadd.s32 $0x15800, s11;
	s8 =	sadd.s32 $0x15900, s11  }
0xe: {  	v1 =	vimm.f32 $0.0e+00;
	s9 =	sadd.s32 $0x15A00, s11;
	s10 =	sadd.s32 $0x15B00, s11;
	s11 =	sadd.s32 $0x15C00, s11  }
.LBB2_1:
0xf: {  	[tilespmem:s3], [sflag:$0x2] =	stream.linear.gather [hbm4b:s5+s3], $0x2800, $0x38;
	[tilespmem:$0xB280] =	vst v63  }
0x10: {  	s23 =	sand.u32 $0xE00, s3;
	s24 =	sand.u32 $0x70, s3;
	_ =	swait.ge [sflag:s12], $0x2800  }
0x11: {  	s25 =	sshrl.u32 s23, $0x2;
	s23 =	simm.s32 $0x40;
	[sflag:s12] =	ssyncset.done $0x0  }
0x12: {  	v2 =	vadd.s32 s3, v0;
	s25 =	sor.u32 s24, s25;
	s24 =	simm.s32 $0x0;
	[sflag:s12] =	ssyncadd.s32 $0xFFFFD800  }
.LBB2_2:
0x13: {  	p0 =	sne.s32 s23, $0x9C0  }
0x14: {  	[tilespmem:s25+$0x7800] =	vst v2;
	s24 =	sadd.s32 $0x10, s24;
	s25 =	smov.u32 s23;
	s23 =	sadd.s32 $0x40, s23  }
.Ltmp0:
0x15: {  	(pc) =	sbr.rel @p0 .LBB2_2-.Ltmp0, $4  }
0x16: {  	_ = 	snop  }
0x17: {  	s25 =	sand.u32 $0xE00, s25  }
0x18: {  	s26 =	sand.u32 $0x70, s24;
	s25 =	sshrl.u32 s25, $0x2  }
0x19: {  	v2 =	vadd.s32 s24, v0;
	s25 =	sor.u32 s26, s25  }
0x1a: {  	[tilespmem:s25+$0x7800] =	vst v2;
	s23 =	simm.s32 $0x40;
	s24 =	simm.s32 $0x0  }
.LBB2_4:
0x1b: {  	p0 =	sne.s32 s23, $0x1FC0;
	[tilespmem:s24+$0x8280] =	vst v1;
	s24 =	smov.u32 s23;
	s23 =	sadd.s32 $0x40, s23  }
.Ltmp1:
0x1c: {  	(pc) =	sbr.rel @p0 .LBB2_4-.Ltmp1, $2  }
0x1d: {  	_ =	sdelay $0x2  }
0x1e: {  	s24 =	sshra.s32 s24, $0x2  }
0x1f: {  	[tilespmem:s24+$0x8280] =	vst v1;
	s23 =	simm.s32 $0x0  }
0x20: {  	v2 =	vld [tilespmem:s23+$0x0]  }
0x21: {  	s24 =	simm.s32 $0x40  }
.LBB2_6:
0x22: {  	p0 =	sne.s32 s24, $0x9FC0  }
.Ltmp2:
0x23: {  	_ = 	snop;
	(pc) =	sbr.rel @p0 .LBB2_6-.Ltmp2, $4  }
0x24: {  	_ = 	snop  }
0x25: {  	s25 =	sshra.s32 s24, $0x2;
	s24 =	sadd.s32 $0x40, s24;
	v3 =	vshrl.u32 v2, $0xE;
	v4 =	vand.u32 $0x3FFF, v2  }
0x26: {  	v2 =	vld [tilespmem:s25+$0x0];
	[tilespmem:s23+$0x5000] =	vst v4  }
0x27: {  	[tilespmem:s23+$0x2800] =	vst v3;
	s23 =	smov.u32 s25  }
0x28: {  	_ =	sdelay $0x2  }
0x29: {  	v3 =	vand.u32 $0x3FFF, v2  }
0x2a: {  	v2 =	vshrl.u32 v2, $0xE;
	[tilespmem:s23+$0x5000] =	vst v3  }
0x2b: {  	[tilespmem:s23+$0x2800] =	vst v2  }
0x2c: {  	[spmem:s2] =	stream.indirect.scatter [tilespmem:s15], [sflag:$0x2], $0x10, s14, s13, $0xb8;
	[tilespmem:$0xB280] =	vst v63  }
0x2d: {  	_ =	swait.ge [sflag:s12], $0x800  }
0x2e: {  	[sflag:s12] =	ssyncset.done $0x0  }
0x2f: {  	[sflag:s12] =	ssyncadd.s32 $0xFFFFF800  }
0x30: {  	[spmem:s2] =	stream.indirect.scatter [tilespmem:s15], [sflag:$0x2], $0x10, s16, s13, $0xb8;
	[tilespmem:$0xB280] =	vst v63  }
0x31: {  	_ =	swait.ge [sflag:s12], $0x800  }
0x32: {  	[sflag:s12] =	ssyncset.done $0x0  }
0x33: {  	[sflag:s12] =	ssyncadd.s32 $0xFFFFF800  }
0x34: {  	[spmem:s2] =	stream.indirect.scatter [tilespmem:s15], [sflag:$0x2], $0x10, s17, s13, $0xb8;
	[tilespmem:$0xB280] =	vst v63  }
0x35: {  	_ =	swait.ge [sflag:s12], $0x800  }
0x36: {  	[sflag:s12] =	ssyncset.done $0x0  }
0x37: {  	[sflag:s12] =	ssyncadd.s32 $0xFFFFF800  }
0x38: {  	[spmem:s2] =	stream.indirect.scatter [tilespmem:s15], [sflag:$0x2], $0x10, s18, s13, $0xb8;
	[tilespmem:$0xB280] =	vst v63  }
0x39: {  	_ =	swait.ge [sflag:s12], $0x800  }
0x3a: {  	[sflag:s12] =	ssyncset.done $0x0  }
0x3b: {  	[sflag:s12] =	ssyncadd.s32 $0xFFFFF800  }
0x3c: {  	[spmem:s2] =	stream.indirect.scatter [tilespmem:s15], [sflag:$0x2], $0x10, s19, s13, $0xb8;
	[tilespmem:$0xB280] =	vst v63  }
0x3d: {  	_ =	swait.ge [sflag:s12], $0x800  }
0x3e: {  	[sflag:s12] =	ssyncset.done $0x0  }
0x3f: {  	[sflag:s12] =	ssyncadd.s32 $0xFFFFF800  }
0x40: {  	s30 =	simm.s32 $0x2800;
	[bflag:$0x0] =	sbarrier.arrive $0xFFFF  }
0x41: {  	[tilespmem:s20], [sflag:$0x1] =	stream.indirect.gather [hbm4b:s4+s13], $0x10, s30, s13, $0xb8;
	[tilespmem:$0xB280] =	vst v63  }
0x42: {  	_ =	swait.ge [sflag:s21], $0x800  }
0x43: {  	[sflag:s21] =	ssyncset.done $0x0  }
0x44: {  	s31 =	simm.s32 $0x5000;
	[sflag:s21] =	ssyncadd.s32 $0xFFFFF800  }
0x45: {  	[spmem:s2] =	stream.indirect.scatter.add.f32 [tilespmem:s20], [sflag:$0x2], $0x10, s31, s13, $0xb8;
	[tilespmem:$0xB280] =	vst v63  }
0x46: {  	_ =	swait.ge [sflag:s12], $0x800  }
0x47: {  	s24 =	simm.s32 $0x400;
	s23 =	simm.s32 $0x80;
	[sflag:s12] =	ssyncset.done $0x0  }
.LBB2_8:
0x48: {  	s25 =	sadd.s32 $0x2800, s23  }
0x49: {  	[sflag:s12] =	ssyncadd.s32 $0xFFFFF800;
	s26 =	smov.u32 s24;
	s28 =	sadd.s32 $0x200, s24  }
0x4a: {  	[tilespmem:s20], [sflag:$0x1] =	stream.indirect.gather [hbm4b:s4+s13], $0x10, s25, s13, $0xb8;
	[tilespmem:$0xB280] =	vst v63  }
0x4b: {  	p0 =	sne.s32 s24, $0x9E00;
	_ =	swait.ge [sflag:s21], $0x800  }
.Ltmp3:
0x4c: {  	[sflag:s21] =	ssyncset.done $0x0;
	(pc) =	sbr.rel @p0 .LBB2_8-.Ltmp3, $4  }
0x4d: {  	s23 =	sadd.s32 $0x5000, s23;
	[sflag:s21] =	ssyncadd.s32 $0xFFFFF800  }
0x4e: {  	[spmem:s2] =	stream.indirect.scatter.add.f32 [tilespmem:s20], [sflag:$0x2], $0x10, s23, s13, $0xb8;
	[tilespmem:$0xB280] =	vst v63  }
0x4f: {  	_ =	swait.ge [sflag:s12], $0x800  }
0x50: {  	s24 =	smov.u32 s28;
	s23 =	sshra.s32 s26, $0x2;
	[sflag:s12] =	ssyncset.done $0x0  }
0x51: {  	s24 =	sadd.s32 $0x2800, s23;
	[sflag:s12] =	ssyncadd.s32 $0xFFFFF800  }
0x52: {  	[tilespmem:s20], [sflag:$0x1] =	stream.indirect.gather [hbm4b:s4+s13], $0x10, s24, s13, $0xb8;
	[tilespmem:$0xB280] =	vst v63  }
0x53: {  	_ =	swait.ge [sflag:s21], $0x800  }
0x54: {  	[sflag:s21] =	ssyncset.done $0x0  }
0x55: {  	s31 =	sadd.s32 $0x5000, s23;
	[sflag:s21] =	ssyncadd.s32 $0xFFFFF800  }
0x56: {  	[spmem:s2] =	stream.indirect.scatter.add.f32 [tilespmem:s20], [sflag:$0x2], $0x10, s31, s13, $0xb8;
	[tilespmem:$0xB280] =	vst v63  }
0x57: {  	_ =	swait.ge [sflag:s12], $0x800  }
0x58: {  	[sflag:s12] =	ssyncset.done $0x0  }
0x59: {  	[sflag:s12] =	ssyncadd.s32 $0xFFFFF800  }
0x5a: {  	[bflag:$0x0] =	sbarrier.arrive $0xFFFF  }
0x5b: {  	[tilespmem:s15], [sflag:$0x1] =	stream.indirect.gather [spmem:s2], $0x10, s14, s13, $0xb8;
	[tilespmem:$0xB280] =	vst v63  }
0x5c: {  	_ =	swait.ge [sflag:s21], $0x800  }
0x5d: {  	[sflag:s21] =	ssyncset.done $0x0  }
0x5e: {  	[sflag:s21] =	ssyncadd.s32 $0xFFFFF800  }
0x5f: {  	[hbm4b:s7+s3] =	stream.linear.scatter [tilespmem:s15], [sflag:$0x2], $0x800, $0x38;
	[tilespmem:$0xB280] =	vst v63  }
0x60: {  	_ =	swait.ge [sflag:s12], $0x800  }
0x61: {  	[sflag:s12] =	ssyncset.done $0x0  }
0x62: {  	[sflag:s12] =	ssyncadd.s32 $0xFFFFF800  }
0x63: {  	[tilespmem:s15], [sflag:$0x1] =	stream.indirect.gather [spmem:s2], $0x10, s16, s13, $0xb8;
	[tilespmem:$0xB280] =	vst v63  }
0x64: {  	_ =	swait.ge [sflag:s21], $0x800  }
0x65: {  	[sflag:s21] =	ssyncset.done $0x0  }
0x66: {  	[sflag:s21] =	ssyncadd.s32 $0xFFFFF800  }
0x67: {  	[hbm4b:s8+s3] =	stream.linear.scatter [tilespmem:s15], [sflag:$0x2], $0x800, $0x38;
	[tilespmem:$0xB280] =	vst v63  }
0x68: {  	_ =	swait.ge [sflag:s12], $0x800  }
0x69: {  	[sflag:s12] =	ssyncset.done $0x0  }
0x6a: {  	[sflag:s12] =	ssyncadd.s32 $0xFFFFF800  }
0x6b: {  	[tilespmem:s15], [sflag:$0x1] =	stream.indirect.gather [spmem:s2], $0x10, s17, s13, $0xb8;
	[tilespmem:$0xB280] =	vst v63  }
0x6c: {  	_ =	swait.ge [sflag:s21], $0x800  }
0x6d: {  	[sflag:s21] =	ssyncset.done $0x0  }
0x6e: {  	[sflag:s21] =	ssyncadd.s32 $0xFFFFF800  }
0x6f: {  	[hbm4b:s9+s3] =	stream.linear.scatter [tilespmem:s15], [sflag:$0x2], $0x800, $0x38;
	[tilespmem:$0xB280] =	vst v63  }
0x70: {  	_ =	swait.ge [sflag:s12], $0x800  }
0x71: {  	[sflag:s12] =	ssyncset.done $0x0  }
0x72: {  	[sflag:s12] =	ssyncadd.s32 $0xFFFFF800  }
0x73: {  	[tilespmem:s15], [sflag:$0x1] =	stream.indirect.gather [spmem:s2], $0x10, s18, s13, $0xb8;
	[tilespmem:$0xB280] =	vst v63  }
0x74: {  	_ =	swait.ge [sflag:s21], $0x800  }
0x75: {  	[sflag:s21] =	ssyncset.done $0x0  }
0x76: {  	[sflag:s21] =	ssyncadd.s32 $0xFFFFF800  }
0x77: {  	[hbm4b:s10+s3] =	stream.linear.scatter [tilespmem:s15], [sflag:$0x2], $0x800, $0x38;
	[tilespmem:$0xB280] =	vst v63  }
0x78: {  	_ =	swait.ge [sflag:s12], $0x800  }
0x79: {  	[sflag:s12] =	ssyncset.done $0x0  }
0x7a: {  	[sflag:s12] =	ssyncadd.s32 $0xFFFFF800  }
0x7b: {  	[tilespmem:s15], [sflag:$0x1] =	stream.indirect.gather [spmem:s2], $0x10, s19, s13, $0xb8;
	[tilespmem:$0xB280] =	vst v63  }
0x7c: {  	s22 =	sadd.s32 $0x1, s22;
	_ =	swait.ge [sflag:s21], $0x800  }
0x7d: {  	p0 =	sne.s32 s22, s6;
	[sflag:s21] =	ssyncset.done $0x0  }
.Ltmp4:
0x7e: {  	[sflag:s21] =	ssyncadd.s32 $0xFFFFF800;
	(pc) =	sbr.rel @p0 .LBB2_1-.Ltmp4, $4  }
0x7f: {  	[hbm4b:s11+s3] =	stream.linear.scatter [tilespmem:s15], [sflag:$0x2], $0x800, $0x38;
	[tilespmem:$0xB280] =	vst v63  }
0x80: {  	_ =	swait.ge [sflag:s12], $0x800  }
0x81: {  	[sflag:s12] =	ssyncset.done $0x0  }
0x82: {  	[sflag:s12] =	ssyncadd.s32 $0xFFFFF800  }
0x83: {  	_ =	sfence.sel $0x180000  }
0x84: {  	[bflag:$0x0] =	sbarrier.arrive $0xFFFF  }
0x85: {  	p0 =	sne.s32 s0, $0x0;
	_ =	strace $0x9000004D  }
0x86: {  	s0 =	sadd.s32 @!p0 $0x100000, s1;
	[bflag:$0x2] =	sbarrier.arrive $0xFFFF  }
0x87: {  	[sflag:s0] =	ssyncadd.tile.s32 @!p0 $0x1;
	_ =	shalt  }
.Lfunc_end2:
_tile_overlayer_lowered:
.L_overlay_start_2:
0x88: {  	(tag) =	ssettag $0x2  }
0x89: {  	s0 =	rddreg [dreg:$0x0];
	s2 =	stileid.u32  }
0x8a: {  	s1 =	rddreg [dreg:$0x1];
	p0 =	sne.s32 s2, $0x0  }
0x8b: {  	s3 =	rddreg [dreg:$0x2];
	[bflag:$0x3] =	sbarrier.arrive $0xFFFF;
	s2 =	simm.s32 @!p0 $0x1C02  }
0x8c: {  	[timem:s3], [sflag:s2] =	dma.local @!p0 [hbm:s0], s1  }
0x8d: {  	s0 =	simm.s32 @!p0 $0x2  }
0x8e: {  	_ =	swait.ge @!p0 [sflag:s0], s1  }
0x8f: {  	s1 =	ssub.s32 @!p0 $0x0, s1;
	[sflag:s0] =	ssyncset.done @!p0 $0x0  }
0x90: {  	[sflag:s0] =	ssyncadd.s32 @!p0 s1  }
0x91: {  	[bflag:$0x3] =	sbarrier.arrive $0xFFFF  }
0x92: {  	_ =	shalt  }

// kernel: kernel.8.cloned.1.call-start
scs
__scs_entry_jumppad:
0x0: {  	(pc) =	sbr.rel $0x88, $3  }
0x1: {  	(tag) =	ssettag $0x0;
	lr =	simm.s32 $0x1  }
0x2: {  	[smem:$0x3F9B] =	sst lr;
	_ =	strace $0xD0000000  }
0x3: {  	_ = 	snop  }
0x4: {  	_ = 	snop  }
0x5: {  	_ = 	snop  }
0x6: {  	_ = 	snop  }
0x7: {  	_ = 	snop  }
__scs_overlays_trampoline_lowered:
0x8: {  	[smem:$0x3FAA] =	sst s0  }
0x9: {  	[smem:$0x3FAB] =	sst s1  }
0xa: {  	[smem:$0x3FAC] =	sst s2  }
0xb: {  	[smem:$0x3FAD] =	sst s3  }
0xc: {  	[smem:$0x3FAE] =	sst s4  }
0xd: {  	[smem:$0x3FAF] =	sst s5  }
0xe: {  	[smem:$0x3FB0] =	sst s6  }
0xf: {  	[smem:$0x3FB1] =	sst s7  }
0x10: {  	[smem:$0x3FB2] =	sst s8  }
0x11: {  	[smem:$0x3FB3] =	sst s9;
	s0 =	simm.s32 @!p0 $0x0  }
0x12: {  	s1 =	sld [smem:$0x3F99];
	s0 =	simm.s32 @p0 $0x1  }
0x13: {  	[smem:$0x3FB4] =	sst s0;
	s0 =	simm.s32 @!p1 $0x0  }
0x14: {  	s2 =	sld [smem:$0x3F98];
	s0 =	simm.s32 @p1 $0x1  }
0x15: {  	[smem:$0x3FB5] =	sst s0;
	s0 =	simm.s32 @!p2 $0x0  }
0x16: {  	s3 =	sld [smem:$0x3FDB];
	s0 =	simm.s32 @p2 $0x1  }
0x17: {  	s4 =	simm.s32 $0x1BF5;
	[smem:$0x3FB7] =	sst s0  }
0x18: {  	s0 =	sld [smem:$0x3F9A];
	_ =	swait.ge [sflag:s4], $0x0  }
0x19: {  	s7 =	sld [smem:$0x3F9B]  }
0x1a: {  	s8 =	sadd.s32 $0xFFFFE003, lr  }
0x1b: {  	s9 =	sadd.s32 $0xFFFFFEF7, lr;
	s5 =	simm.s32 $0xFFFFFFFF;
	p2 =	slt.u32 s8, $0xFFFFF086  }
0x1c: {  	p1 =	slt.u32 s9, $0xF7A;
	s5 =	simm.s32 @!p2 $0x0  }
0x1d: {  	s5 =	simm.s32 @p1 $0x1;
	p0 =	seq.s32 s7, s2  }
0x1e: {  	s7 =	smul.u32 @!p0 $0xF7A, s2;
	p2 =	seq.s32 @!p0 s5, $0x0  }
0x1f: {  	s9 =	smul.u32 $0xF7A, s1;
	s8 =	simm.s32 @!p0 $0x1BF5;
	p2 =	por !p2, p0  }
0x20: {  	[sflag:s8] =	ssyncset.s32 @!p0 $0xFFFFF086;
	s6 =	sadd.s32 @!p0 s3, s7;
	s7 =	simm.s32 @!p0 $0x108  }
0x21: {  	s3 =	sadd.s32 s3, s9;
	s6 =	sadd.s32 @!p0 $0x88, s6;
	s7 =	simm.s32 @p2 $0x1082  }
0x22: {  	[simem:s7], [sflag:s8] =	dma.local @!p0 [hbm:s6], $0xF7A  }
0x23: {  	s9 =	sor.u32 $0xD0000000, s2;
	s6 =	simm.s32 $0x108;
	_ =	swait.ge @!p0 [sflag:s8], $0x0  }
0x24: {  	s3 =	sadd.s32 $0x88, s3;
	s6 =	simm.s32 @!p1 $0x1082;
	[sflag:s4] =	ssyncset.s32 $0xFFFFF086  }
0x25: {  	[simem:s6], [sflag:s4] =	dma.local [hbm:s3], $0xF7A  }
0x26: {  	[smem:$0x3F9B] =	sst s1;
	(tag) =	ssettag s2;
	_ =	strace s9  }
0x27: {  	s1 =	sld [smem:$0x3FAB]  }
0x28: {  	s2 =	sld [smem:$0x3FAC]  }
0x29: {  	s4 =	sld [smem:$0x3FAE]  }
0x2a: {  	p0 =	seq.s32 s5, $0x0;
	s5 =	sld [smem:$0x3FAF]  }
0x2b: {  	s6 =	sld [smem:$0x3FB0]  }
0x2c: {  	s7 =	sld [smem:$0x3FB1]  }
0x2d: {  	s3 =	simm.s32 $0x108;
	s8 =	sld [smem:$0x3FB2]  }
0x2e: {  	s3 =	simm.s32 @!p0 $0x1082;
	s9 =	sld [smem:$0x3FB3]  }
0x2f: {  	lr =	sadd.s32 s0, s3;
	s0 =	sld [smem:$0x3FAA]  }
0x30: {  	s3 =	sld [smem:$0x3FAD]  }
0x31: {  	[smem:$0x3FB6] =	sst s10  }
0x32: {  	s10 =	sld [smem:$0x3FB4];
	_ =	sdelay $0x3  }
0x33: {  	p0 =	seq.s32 s10, $0x1;
	s10 =	sld [smem:$0x3FB6];
	_ =	sdelay $0x3  }
0x34: {  	[smem:$0x3FB6] =	sst s10  }
0x35: {  	s10 =	sld [smem:$0x3FB5];
	_ =	sdelay $0x3  }
0x36: {  	p1 =	seq.s32 s10, $0x1;
	s10 =	sld [smem:$0x3FB6];
	_ =	sdelay $0x3  }
0x37: {  	[smem:$0x3FB6] =	sst s10  }
0x38: {  	s10 =	sld [smem:$0x3FB7]  }
0x39: {  	_ = 	snop;
	(pc) =	sbr.ind lr, $3  }
0x3a: {  	_ = 	snop  }
0x3b: {  	_ = 	snop  }
0x3c: {  	p2 =	seq.s32 s10, $0x1;
	s10 =	sld [smem:$0x3FB6]  }
0x3d: {  	_ =	shalt  }
0x3e: {  	_ =	shalt  }
0x3f: {  	_ =	shalt  }
0x40: {  	_ =	shalt  }
0x41: {  	_ =	shalt  }
0x42: {  	_ =	shalt  }
0x43: {  	_ =	shalt  }
0x44: {  	_ =	shalt  }
0x45: {  	_ =	shalt  }
0x46: {  	_ =	shalt  }
0x47: {  	_ =	shalt  }
0x48: {  	_ =	shalt  }
0x49: {  	_ =	shalt  }
0x4a: {  	_ =	shalt  }
0x4b: {  	_ =	shalt  }
0x4c: {  	_ =	shalt  }
0x4d: {  	_ =	shalt  }
0x4e: {  	_ =	shalt  }
0x4f: {  	_ =	shalt  }
0x50: {  	_ =	shalt  }
0x51: {  	_ =	shalt  }
0x52: {  	_ =	shalt  }
0x53: {  	_ =	shalt  }
0x54: {  	_ =	shalt  }
0x55: {  	_ =	shalt  }
0x56: {  	_ =	shalt  }
0x57: {  	_ =	shalt  }
0x58: {  	_ =	shalt  }
0x59: {  	_ =	shalt  }
0x5a: {  	_ =	shalt  }
0x5b: {  	_ =	shalt  }
0x5c: {  	_ =	shalt  }
0x5d: {  	_ =	shalt  }
0x5e: {  	_ =	shalt  }
0x5f: {  	_ =	shalt  }
0x60: {  	_ =	shalt  }
0x61: {  	_ =	shalt  }
0x62: {  	_ =	shalt  }
0x63: {  	_ =	shalt  }
0x64: {  	_ =	shalt  }
0x65: {  	_ =	shalt  }
0x66: {  	_ =	shalt  }
0x67: {  	_ =	shalt  }
0x68: {  	_ =	shalt  }
0x69: {  	_ =	shalt  }
0x6a: {  	_ =	shalt  }
0x6b: {  	_ =	shalt  }
0x6c: {  	_ =	shalt  }
0x6d: {  	_ =	shalt  }
0x6e: {  	_ =	shalt  }
0x6f: {  	_ =	shalt  }
0x70: {  	_ =	shalt  }
0x71: {  	_ =	shalt  }
0x72: {  	_ =	shalt  }
0x73: {  	_ =	shalt  }
0x74: {  	_ =	shalt  }
0x75: {  	_ =	shalt  }
0x76: {  	_ =	shalt  }
0x77: {  	_ =	shalt  }
0x78: {  	_ =	shalt  }
0x79: {  	_ =	shalt  }
0x7a: {  	_ =	shalt  }
0x7b: {  	_ =	shalt  }
0x7c: {  	_ =	shalt  }
0x7d: {  	_ =	shalt  }
0x7e: {  	_ =	shalt  }
0x7f: {  	_ =	shalt  }
0x80: {  	_ =	shalt  }
0x81: {  	_ =	shalt  }
0x82: {  	_ =	shalt  }
0x83: {  	_ =	shalt  }
0x84: {  	_ =	shalt  }
0x85: {  	_ =	shalt  }
0x86: {  	_ =	shalt  }
0x87: {  	_ =	shalt  }
.Lfunc_end0:
.L_simem_size_0:
called_computation_lowered:
.L_overlay_start_0:
0x88: {  	s2 =	sld [smem:$0x3FD9]  }
0x89: {  	s3 =	sld [smem:$0x3FFE];
	_ =	sdelay $0x1  }
0x8a: {  	s1 =	srdreg.scid  }
0x8b: {  	s0 =	sand.u32 $0x1, s1  }
0x8c: {  	s16 =	sshll.u32 s0, $0xA;
	s2 =	sadd.s32 s3, s2  }
0x8d: {  	s2 =	sadd.s32 s2, s16  }
0x8e: {  	[smem:$0x3FC2] =	sst s2  }
0x8f: {  	_ = 	snop  }
0x90: {  	(tm) =	ssettm $0x1  }
0x91: {  	s17 =	sld [smem:$0x3FFB];
	_ =	sdelay $0x3  }
0x92: {  	_ =	strace s17  }
0x93: {  	s2 =	sld [smem:$0x3FFC];
	_ =	sdelay $0x3  }
0x94: {  	_ =	strace s2  }
0x95: {  	s2 =	sld [smem:$0x3FFD];
	_ =	sdelay $0x3  }
0x96: {  	_ =	strace s2  }
0x97: {  	_ =	strace $0x8FFFFFFF  }
0x98: {  	s18 =	sld [smem:$0x3FDB];
	_ =	sdelay $0x1  }
0x99: {  	s19 =	simm.s32 $_scs_section_size  }
0x9a: {  	s4 =	simm.s32 $_size__tile_overlayer_lowered;
	s5 =	simm.s32 $_tile_overlayer_lowered  }
0x9b: {  	s22 =	simm.s32 $0x1BFF;
	s21 =	sshll.u32 s5, $0x1;
	s2 =	sadd.s32 s19, s18  }
0x9c: {  	s6 =	simm.s32 $0x0;
	s20 =	sshll.u32 s4, $0x1;
	s4 =	sadd.s32 s21, s2  }
0x9d: {  	[timem:s6], [sflag:s22] =	dma.local [hbm:s4], s20  }
0x9e: {  	_ =	swait.ge [sflag:s22], s20  }
0x9f: {  	s3 =	ssub.s32 $0x0, s20;
	[sflag:s22] =	ssyncset.done $0x0  }
0xa0: {  	[sflag:s22] =	ssyncadd.s32 s3;
	_ =	sdelay $0x1  }
0xa1: {  	s23 =	simm.s32 $0x1B8B  }
0xa2: {  	_ =	swait.ge [sflag:s23], $0x1  }
0xa3: {  	[sflag:s23] =	ssyncset.done $0x0  }
0xa4: {  	s25 =	simm.s32 $0x1B8E;
	s24 =	sld [smem:$0x3FFE];
	[sflag:s23] =	ssyncadd.s32 $0xFFFFFFFF  }
0xa5: {  	s26 =	simm.s32 $execute0_lowered;
	[smem:$0x3FD2] =	sst s25  }
0xa6: {  	s4 =	sshll.u32 s26, $0x1;
	_ =	strace $0x80000046;
	[dreg:$0x1] =	wrdreg $0xFFFFFFFF  }
0xa7: {  	s28 =	simm.s32 $_size_execute0_lowered;
	s2 =	sadd.s32 s2, s4;
	[dreg:$0x0] =	wrdreg $0x0  }
0xa8: {  	s4 =	sshll.u32 s28, $0x1;
	[dreg:$0x2] =	wrdreg s2  }
0xa9: {  	[dreg:$0x3] =	wrdreg s4  }
0xaa: {  	[dreg:$0x4] =	wrdreg $0xC0  }
0xab: {  	_ =	task [dreg:s6], $0x5FFFF  }
0xac: {  	[dreg:$0x1] =	wrdreg $0xFFFFFFFF  }
0xad: {  	[dreg:$0x0] =	wrdreg $0x60  }
0xae: {  	[dreg:$0x2] =	wrdreg s24  }
0xaf: {  	[dreg:$0x3] =	wrdreg $0x3A800  }
0xb0: {  	[dreg:$0x4] =	wrdreg $0x9  }
0xb1: {  	_ =	task.clear_ibuf [dreg:s6], $0x5FFFF;
	_ =	strace $0x90000046  }
0xb2: {  	s29 =	simm.s32 $0x9;
	_ =	strace $0x80000048  }
0xb3: {  	_ =	swait.ge [sflag:s29], $0x1  }
0xb4: {  	[sflag:s29] =	ssyncadd.s32 $0xFFFFFFFF  }
0xb5: {  	_ =	strace $0x90000048  }
0xb6: {  	_ =	sfence  }
0xb7: {  	s30 =	sld [smem:$0x0];
	_ =	sdelay $0x2  }
0xb8: {  	s31 =	sshll.u32 s1, $0xD;
	s1 =	sshrl.u32 s1, $0x2  }
0xb9: {  	s3 =	sand.u32 $0x4000, s31;
	s1 =	sadd.s32 s1, s30  }
0xba: {  	s0 =	sor.u32 s3, s0;
	s1 =	sshll.u32 s1, $0x11  }
0xbb: {  	s0 =	sor.u32 s1, s0  }
0xbc: {  	s0 =	sadd.s32 $0x8F2B, s0  }
0xbd: {  	[sflag:s0] =	ssyncadd.remote.s32 $0x1  }
0xbe: {  	_ =	sfence.sel $0xFFFF  }
0xbf: {  	[dreg:$0x0] =	wrdreg $0xFFFFFFFF;
	(pc) =	sbr.abs _section_cstart, $3  }
0xc0: {  	[dreg:$0x1] =	wrdreg $0xFFFFFFFF  }
0xc1: {  	_ =	task.clear_ibuf [dreg:s6], $0x2FFFF;
	_ =	strace $0x9FFFFFFF  }
0xc2: {  	(tm) =	ssettm $0x7FFFFFFF  }
0xc3: {  	_ =	shalt  }
tec
execute0_lowered:
.L_overlay_start_1:
0x0: {  	(tag) =	ssettag $0x1  }
0x1: {  	s4 =	rddreg [dreg:$0x0];
	s0 =	srdreg.scid  }
0x2: {  	s2 =	rddreg [dreg:$0x1];
	s1 =	stileid.u32  }
0x3: {  	s3 =	simm.s32 $0x0;
	s11 =	simm.s32 $0x2;
	s12 =	simm.s32 $0x80  }
0x4: {  	s13 =	simm.s32 $0x2800;
	s14 =	simm.s32 $0x3280;
	s15 =	simm.s32 $0x2880  }
0x5: {  	s16 =	simm.s32 $0x2900;
	s17 =	simm.s32 $0x2980;
	s18 =	simm.s32 $0x2A00  }
0x6: {  	s20 =	simm.s32 $0x1;
	s21 =	simm.s32 $0x0;
	s8 =	smul.u32 $0x2800, s1  }
0x7: {  	s5 =	sand.u32 $0x1, s0;
	s0 =	rddreg [dreg:$0x2];
	s19 =	smul.u32 $0x280, s1  }
0x8: {  	s6 =	sshll.u32 s1, $0x1;
	[smem:$0x7FF] =	sst s3;
	s7 =	smul.u32 $0x28000, s5  }
0x9: {  	s6 =	sor.u32 s5, s6;
	_ =	strace $0x80000047;
	s5 =	ssub.s32 $0x2, s5  }
0xa: {  	v0 =	vlaneseq.u32;
	s6 =	smul.u32 $0x500, s6;
	s31 =	sshrl.u32 s5, $0x1;
	s7 =	sadd.s32 s7, s8  }
0xb: {  	v0 =	vor.u32 s19, v0;
	s19 =	simm.s32 $0x2A80;
	s5 =	ssub.s32 s5, s31;
	s7 =	sshrl.u32 s7, $0x3  }
0xc: {  	s6 =	sadd.s32 s6, s4;
	s5 =	smax.u32 s5, $0x1;
	s10 =	sadd.s32 s7, s4  }
0xd: {  	s4 =	sadd.s32 $0x1800, s6;
	s6 =	sadd.s32 $0x15800, s10;
	s7 =	sadd.s32 $0x15900, s10  }
0xe: {  	v1 =	vimm.f32 $0.0e+00;
	v2 =	vimm.f32 $1.000000000e+00;
	s8 =	sadd.s32 $0x15A00, s10;
	s9 =	sadd.s32 $0x15B00, s10;
	s10 =	sadd.s32 $0x15C00, s10  }
.LBB2_1:
0xf: {  	[tilespmem:s3], [sflag:$0x2] =	stream.linear.gather [hbm4b:s4+s3], $0x2800, $0x38;
	[tilespmem:$0x6280] =	vst v63  }
0x10: {  	_ =	swait.ge [sflag:s11], $0x2800  }
0x11: {  	[sflag:s11] =	ssyncset.done $0x0  }
0x12: {  	s22 =	simm.s32 $0x0;
	s23 =	simm.s32 $0x0;
	[sflag:s11] =	ssyncadd.s32 $0xFFFFD800  }
.LBB2_2:
0x13: {  	p0 =	sne.s32 s23, $0x9C0  }
.Ltmp0:
0x14: {  	_ = 	snop;
	(pc) =	sbr.rel @p0 .LBB2_2-.Ltmp0, $4  }
0x15: {  	s24 =	sand.u32 $0xE00, s23  }
0x16: {  	s25 =	sand.u32 $0x70, s22;
	s24 =	sshrl.u32 s24, $0x2  }
0x17: {  	v3 =	vadd.s32 s22, v0;
	s24 =	sor.u32 s25, s24  }
0x18: {  	s22 =	sadd.s32 $0x10, s22;
	s23 =	sadd.s32 $0x40, s23;
	[tilespmem:s24+$0x2800] =	vst v3  }
0x19: {  	s22 =	simm.s32 $0x40;
	s23 =	simm.s32 $0x0  }
.LBB2_4:
0x1a: {  	p0 =	sne.s32 s22, $0x1FC0;
	[tilespmem:s23+$0x3280] =	vst v1;
	s23 =	smov.u32 s22;
	s22 =	sadd.s32 $0x40, s22  }
.Ltmp1:
0x1b: {  	(pc) =	sbr.rel @p0 .LBB2_4-.Ltmp1, $2  }
0x1c: {  	_ =	sdelay $0x2  }
0x1d: {  	s23 =	sshra.s32 s23, $0x2  }
0x1e: {  	[tilespmem:s23+$0x3280] =	vst v1  }
0x1f: {  	[spmem:s2] =	stream.indirect.scatter [tilespmem:s14], [sflag:$0x2], $0x10, s13, s12, $0xb8;
	[tilespmem:$0x6280] =	vst v63  }
0x20: {  	_ =	swait.ge [sflag:s11], $0x800  }
0x21: {  	[sflag:s11] =	ssyncset.done $0x0  }
0x22: {  	[sflag:s11] =	ssyncadd.s32 $0xFFFFF800  }
0x23: {  	[spmem:s2] =	stream.indirect.scatter [tilespmem:s14], [sflag:$0x2], $0x10, s15, s12, $0xb8;
	[tilespmem:$0x6280] =	vst v63  }
0x24: {  	_ =	swait.ge [sflag:s11], $0x800  }
0x25: {  	[sflag:s11] =	ssyncset.done $0x0  }
0x26: {  	[sflag:s11] =	ssyncadd.s32 $0xFFFFF800  }
0x27: {  	[spmem:s2] =	stream.indirect.scatter [tilespmem:s14], [sflag:$0x2], $0x10, s16, s12, $0xb8;
	[tilespmem:$0x6280] =	vst v63  }
0x28: {  	_ =	swait.ge [sflag:s11], $0x800  }
0x29: {  	[sflag:s11] =	ssyncset.done $0x0  }
0x2a: {  	[sflag:s11] =	ssyncadd.s32 $0xFFFFF800  }
0x2b: {  	[spmem:s2] =	stream.indirect.scatter [tilespmem:s14], [sflag:$0x2], $0x10, s17, s12, $0xb8;
	[tilespmem:$0x6280] =	vst v63  }
0x2c: {  	_ =	swait.ge [sflag:s11], $0x800  }
0x2d: {  	[sflag:s11] =	ssyncset.done $0x0  }
0x2e: {  	[sflag:s11] =	ssyncadd.s32 $0xFFFFF800  }
0x2f: {  	[spmem:s2] =	stream.indirect.scatter [tilespmem:s14], [sflag:$0x2], $0x10, s18, s12, $0xb8;
	[tilespmem:$0x6280] =	vst v63  }
0x30: {  	_ =	swait.ge [sflag:s11], $0x800  }
0x31: {  	[sflag:s11] =	ssyncset.done $0x0  }
0x32: {  	s22 =	simm.s32 $0x40;
	s23 =	simm.s32 $0x0;
	[sflag:s11] =	ssyncadd.s32 $0xFFFFF800  }
.LBB2_6:
0x33: {  	p0 =	sne.s32 s22, $0x1FC0;
	[tilespmem:s23+$0x2A80] =	vst v2;
	s23 =	smov.u32 s22;
	s22 =	sadd.s32 $0x40, s22  }
.Ltmp2:
0x34: {  	(pc) =	sbr.rel @p0 .LBB2_6-.Ltmp2, $2  }
0x35: {  	_ =	sdelay $0x2  }
0x36: {  	s23 =	sshra.s32 s23, $0x2  }
0x37: {  	[tilespmem:s23+$0x2A80] =	vst v2  }
0x38: {  	s22 =	simm.s32 $0x0;
	[bflag:$0x0] =	sbarrier.arrive $0xFFFF  }
0x39: {  	[spmem:s2] =	stream.indirect.scatter.add.f32 [tilespmem:s19], [sflag:$0x2], $0x10, s22, s12, $0xb8;
	[tilespmem:$0x6280] =	vst v63  }
0x3a: {  	_ =	swait.ge [sflag:s11], $0x800  }
0x3b: {  	s22 =	simm.s32 $0x200;
	[sflag:s11] =	ssyncset.done $0x0  }
.LBB2_8:
0x3c: {  	s23 =	sshra.s32 s22, $0x2;
	[sflag:s11] =	ssyncadd.s32 $0xFFFFF800;
	p0 =	sne.s32 s22, $0x9E00  }
0x3d: {  	[spmem:s2] =	stream.indirect.scatter.add.f32 [tilespmem:s19], [sflag:$0x2], $0x10, s23, s12, $0xb8;
	[tilespmem:$0x6280] =	vst v63  }
.Ltmp3:
0x3e: {  	_ = 	snop;
	(pc) =	sbr.rel @p0 .LBB2_8-.Ltmp3, $4  }
0x3f: {  	_ = 	snop  }
0x40: {  	s22 =	sadd.s32 $0x200, s22  }
0x41: {  	_ =	swait.ge [sflag:s11], $0x800  }
0x42: {  	[sflag:s11] =	ssyncset.done $0x0  }
0x43: {  	[sflag:s11] =	ssyncadd.s32 $0xFFFFF800  }
0x44: {  	[bflag:$0x0] =	sbarrier.arrive $0xFFFF  }
0x45: {  	[tilespmem:s14], [sflag:$0x1] =	stream.indirect.gather [spmem:s2], $0x10, s13, s12, $0xb8;
	[tilespmem:$0x6280] =	vst v63  }
0x46: {  	_ =	swait.ge [sflag:s20], $0x800  }
0x47: {  	[sflag:s20] =	ssyncset.done $0x0  }
0x48: {  	[sflag:s20] =	ssyncadd.s32 $0xFFFFF800  }
0x49: {  	[hbm4b:s6+s3] =	stream.linear.scatter [tilespmem:s14], [sflag:$0x2], $0x800, $0x38;
	[tilespmem:$0x6280] =	vst v63  }
0x4a: {  	_ =	swait.ge [sflag:s11], $0x800  }
0x4b: {  	[sflag:s11] =	ssyncset.done $0x0  }
0x4c: {  	[sflag:s11] =	ssyncadd.s32 $0xFFFFF800  }
0x4d: {  	[tilespmem:s14], [sflag:$0x1] =	stream.indirect.gather [spmem:s2], $0x10, s15, s12, $0xb8;
	[tilespmem:$0x6280] =	vst v63  }
0x4e: {  	_ =	swait.ge [sflag:s20], $0x800  }
0x4f: {  	[sflag:s20] =	ssyncset.done $0x0  }
0x50: {  	[sflag:s20] =	ssyncadd.s32 $0xFFFFF800  }
0x51: {  	[hbm4b:s7+s3] =	stream.linear.scatter [tilespmem:s14], [sflag:$0x2], $0x800, $0x38;
	[tilespmem:$0x6280] =	vst v63  }
0x52: {  	_ =	swait.ge [sflag:s11], $0x800  }
0x53: {  	[sflag:s11] =	ssyncset.done $0x0  }
0x54: {  	[sflag:s11] =	ssyncadd.s32 $0xFFFFF800  }
0x55: {  	[tilespmem:s14], [sflag:$0x1] =	stream.indirect.gather [spmem:s2], $0x10, s16, s12, $0xb8;
	[tilespmem:$0x6280] =	vst v63  }
0x56: {  	_ =	swait.ge [sflag:s20], $0x800  }
0x57: {  	[sflag:s20] =	ssyncset.done $0x0  }
0x58: {  	[sflag:s20] =	ssyncadd.s32 $0xFFFFF800  }
0x59: {  	[hbm4b:s8+s3] =	stream.linear.scatter [tilespmem:s14], [sflag:$0x2], $0x800, $0x38;
	[tilespmem:$0x6280] =	vst v63  }
0x5a: {  	_ =	swait.ge [sflag:s11], $0x800  }
0x5b: {  	[sflag:s11] =	ssyncset.done $0x0  }
0x5c: {  	[sflag:s11] =	ssyncadd.s32 $0xFFFFF800  }
0x5d: {  	[tilespmem:s14], [sflag:$0x1] =	stream.indirect.gather [spmem:s2], $0x10, s17, s12, $0xb8;
	[tilespmem:$0x6280] =	vst v63  }
0x5e: {  	_ =	swait.ge [sflag:s20], $0x800  }
0x5f: {  	[sflag:s20] =	ssyncset.done $0x0  }
0x60: {  	[sflag:s20] =	ssyncadd.s32 $0xFFFFF800  }
0x61: {  	[hbm4b:s9+s3] =	stream.linear.scatter [tilespmem:s14], [sflag:$0x2], $0x800, $0x38;
	[tilespmem:$0x6280] =	vst v63  }
0x62: {  	_ =	swait.ge [sflag:s11], $0x800  }
0x63: {  	[sflag:s11] =	ssyncset.done $0x0  }
0x64: {  	[sflag:s11] =	ssyncadd.s32 $0xFFFFF800  }
0x65: {  	[tilespmem:s14], [sflag:$0x1] =	stream.indirect.gather [spmem:s2], $0x10, s18, s12, $0xb8;
	[tilespmem:$0x6280] =	vst v63  }
0x66: {  	s21 =	sadd.s32 $0x1, s21;
	_ =	swait.ge [sflag:s20], $0x800  }
0x67: {  	p0 =	sne.s32 s21, s5;
	[sflag:s20] =	ssyncset.done $0x0  }
.Ltmp4:
0x68: {  	[sflag:s20] =	ssyncadd.s32 $0xFFFFF800;
	(pc) =	sbr.rel @p0 .LBB2_1-.Ltmp4, $4  }
0x69: {  	[hbm4b:s10+s3] =	stream.linear.scatter [tilespmem:s14], [sflag:$0x2], $0x800, $0x38;
	[tilespmem:$0x6280] =	vst v63  }
0x6a: {  	_ =	swait.ge [sflag:s11], $0x800  }
0x6b: {  	[sflag:s11] =	ssyncset.done $0x0  }
0x6c: {  	[sflag:s11] =	ssyncadd.s32 $0xFFFFF800  }
0x6d: {  	_ =	sfence.sel $0x180000  }
0x6e: {  	[bflag:$0x0] =	sbarrier.arrive $0xFFFF  }
0x6f: {  	p0 =	sne.s32 s1, $0x0;
	_ =	strace $0x90000047  }
0x70: {  	s0 =	sadd.s32 @!p0 $0x100000, s0;
	[bflag:$0x2] =	sbarrier.arrive $0xFFFF  }
0x71: {  	[sflag:s0] =	ssyncadd.tile.s32 @!p0 $0x1;
	_ =	shalt  }
.Lfunc_end2:
_tile_overlayer_lowered:
.L_overlay_start_2:
0x72: {  	(tag) =	ssettag $0x2  }
0x73: {  	s0 =	rddreg [dreg:$0x0];
	s2 =	stileid.u32  }
0x74: {  	s1 =	rddreg [dreg:$0x1];
	p0 =	sne.s32 s2, $0x0  }
0x75: {  	s3 =	rddreg [dreg:$0x2];
	[bflag:$0x3] =	sbarrier.arrive $0xFFFF;
	s2 =	simm.s32 @!p0 $0x1C02  }
0x76: {  	[timem:s3], [sflag:s2] =	dma.local @!p0 [hbm:s0], s1  }
0x77: {  	s0 =	simm.s32 @!p0 $0x2  }
0x78: {  	_ =	swait.ge @!p0 [sflag:s0], s1  }
0x79: {  	s1 =	ssub.s32 @!p0 $0x0, s1;
	[sflag:s0] =	ssyncset.done @!p0 $0x0  }
0x7a: {  	[sflag:s0] =	ssyncadd.s32 @!p0 s1  }
0x7b: {  	[bflag:$0x3] =	sbarrier.arrive $0xFFFF  }
0x7c: {  	_ =	shalt  }

</sc_bundles>
